<compile_context>
chip_gen: v7x
topology: tpu7x:2x2x1
jax: 0.10.2.dev20260603
libtpu: 0.0.44.dev20260713+nightly
codegen_flags: <defaults>
</compile_context>

<pallas_src>
import functools
import math

import jax
import jax.numpy as jnp
from jax import lax
from jax.experimental import pallas as pl
from jax.experimental.pallas import tpu as pltpu
from jax.experimental.pallas import tpu_sc as plsc

N = 10000
E = 320000
HID = 128
EA = 16
NB = 64

_NC = 2
_NS = 16
_NW = _NC * _NS
_GRP = 128
_GPW = 80
_E_PAD = _NW * _GPW * _GRP
_NGRP = _E_PAD // _GRP
_IDX_ROWS = _NGRP + 8

_GRPG = 256
_GPWG = _E_PAD // (_NW * _GRPG)
_NGRPG = _E_PAD // _GRPG
_IDX_ROWS_G = _NGRPG + 8
_TW = HID + 16

_S3 = math.sqrt(3.0)
_INTERP = False


def _sigmoid(x):
    return 1.0 / (1.0 + jnp.exp(-x))



_NBLK = 2000


def _stage1a_body(nf_ref, posp_ref, db_ref, mf_ref, mcol_ref, wc1t_ref, bc1_ref,
                  wc2p_ref, bc2p_ref, a_ref, b_ref, mc_ref, psc_ref):
    nf = nf_ref[...]
    a_ref[...] = jnp.dot(nf, mf_ref[...], preferred_element_type=jnp.float32)
    b_ref[...] = jnp.dot(nf, mcol_ref[...], preferred_element_type=jnp.float32)

    hc = jnp.dot(nf, wc1t_ref[...], preferred_element_type=jnp.float32) + bc1_ref[...]
    hc = hc * _sigmoid(hc)
    mc_ref[...] = jnp.dot(hc, wc2p_ref[...], preferred_element_type=jnp.float32) + bc2p_ref[...]

    posp = posp_ref[...]
    db = db_ref[...]
    onehot = (db == lax.broadcasted_iota(jnp.int32, (1, NB), 1)).astype(jnp.float32)
    psc = lax.dot_general(onehot, posp, (((0,), (0,)), ((), ())),
                          preferred_element_type=jnp.float32)

    @pl.when(pl.program_id(0) == 0)
    def _init():
        psc_ref[...] = psc

    @pl.when(pl.program_id(0) != 0)
    def _acc():
        psc_ref[...] += psc


def _stage1b_body(posp_ref, db_ref, mc_ref, psc_ref, nsc_ref):
    psc = psc_ref[...]
    com = psc[:, 0:3] / jnp.maximum(psc[:, 3:4], 1.0)
    posp = posp_ref[...]
    db = db_ref[...]
    mc = mc_ref[...]
    onehot = (db == lax.broadcasted_iota(jnp.int32, (1, NB), 1)).astype(jnp.float32)
    percom = jnp.dot(onehot, com, preferred_element_type=jnp.float32)

    d = posp[:, 0:3] - percom
    dx = d[:, 0:1]
    dy = d[:, 1:2]
    dz = d[:, 2:3]
    r = jnp.sqrt(dx * dx + dy * dy + dz * dz)
    inv = 1.0 / jnp.maximum(r, 1e-12)
    ux = dx * inv
    uy = dy * inv
    uz = dz * inv
    m0 = mc[:, 0:1]
    m1 = mc[:, 1:2]
    m2 = mc[:, 2:3]
    zeros = jnp.zeros_like(m0)
    nsc_ref[...] = jnp.concatenate([
        m0,
        m1 * ux, m1 * uy, m1 * uz,
        m2 * (_S3 * ux * uz),
        m2 * (_S3 * ux * uy),
        m2 * (uy * uy - 0.5 * (ux * ux + uz * uz)),
        m2 * (_S3 * uy * uz),
        m2 * (0.5 * _S3 * (uz * uz - ux * ux)),
        zeros, zeros, zeros, zeros, zeros, zeros, zeros,
    ], axis=1)


def _stage1(nf, posp, db2, mf, mcol, wc1t, bc1v, wc2p, bc2p):
    grid = N // _NBLK
    A, B, MC, PSC = pl.pallas_call(
        _stage1a_body,
        grid=(grid,),
        in_specs=[
            pl.BlockSpec((_NBLK, HID), lambda i: (i, 0)),
            pl.BlockSpec((_NBLK, 4), lambda i: (i, 0)),
            pl.BlockSpec((_NBLK, 1), lambda i: (i, 0)),
            pl.BlockSpec((HID, HID), lambda i: (0, 0)),
            pl.BlockSpec((HID, HID), lambda i: (0, 0)),
            pl.BlockSpec((HID, HID), lambda i: (0, 0)),
            pl.BlockSpec((1, HID), lambda i: (0, 0)),
            pl.BlockSpec((HID, 8), lambda i: (0, 0)),
            pl.BlockSpec((1, 8), lambda i: (0, 0)),
        ],
        out_specs=[
            pl.BlockSpec((_NBLK, HID), lambda i: (i, 0)),
            pl.BlockSpec((_NBLK, HID), lambda i: (i, 0)),
            pl.BlockSpec((_NBLK, 8), lambda i: (i, 0)),
            pl.BlockSpec((NB, 4), lambda i: (0, 0)),
        ],
        out_shape=[
            jax.ShapeDtypeStruct((N, HID), jnp.float32),
            jax.ShapeDtypeStruct((N, HID), jnp.float32),
            jax.ShapeDtypeStruct((N, 8), jnp.float32),
            jax.ShapeDtypeStruct((NB, 4), jnp.float32),
        ],
        interpret=_INTERP,
    )(nf, posp, db2, mf, mcol, wc1t, bc1v, wc2p, bc2p)

    nsc = pl.pallas_call(
        _stage1b_body,
        grid=(grid,),
        in_specs=[
            pl.BlockSpec((_NBLK, 4), lambda i: (i, 0)),
            pl.BlockSpec((_NBLK, 1), lambda i: (i, 0)),
            pl.BlockSpec((_NBLK, 8), lambda i: (i, 0)),
            pl.BlockSpec((NB, 4), lambda i: (0, 0)),
        ],
        out_specs=pl.BlockSpec((_NBLK, 16), lambda i: (i, 0)),
        out_shape=jax.ShapeDtypeStruct((N, 16), jnp.float32),
        interpret=_INTERP,
    )(posp, db2, MC, PSC)
    return A, B, nsc



def _sc_gather_body(ta_hbm, tb_hbm, p16_hbm, np16_hbm, r2d_hbm, c2d_hbm,
                    g_hbm, s_hbm,
                    ridx, cidx, gb0, sb0, gb1, sb1, sg0, sg1, so0, so1):
    cid = lax.axis_index("c")
    sid = lax.axis_index("s")
    wid = cid * _NS + sid
    start_g = wid * _GPWG

    pltpu.sync_copy(r2d_hbm.at[pl.ds(start_g, _GPWG + 8)], ridx)
    pltpu.sync_copy(c2d_hbm.at[pl.ds(start_g, _GPWG + 8)], cidx)

    def base(c, gb, sb, sg):
        pltpu.async_copy(ta_hbm.at[ridx.at[c]], gb, sg)
        pltpu.async_copy(p16_hbm.at[ridx.at[c]], sb, sg)

    def addg(c, gb, sb, sg):
        pltpu.async_copy(tb_hbm.at[cidx.at[c]], gb, sg, add=True)
        pltpu.async_copy(np16_hbm.at[cidx.at[c]], sb, sg, add=True)

    def wait_g(gb, sb, sg):
        pltpu.make_async_copy(ta_hbm.at[pl.ds(0, _GRPG)], gb, sg).wait()
        pltpu.make_async_copy(p16_hbm.at[pl.ds(0, _GRPG)], sb, sg).wait()

    def wout(c, gb, sb, so):
        esl = pl.ds((start_g + c) * _GRPG, _GRPG)
        pltpu.async_copy(gb, g_hbm.at[esl], so)
        pltpu.async_copy(sb, s_hbm.at[esl], so)

    def wait_o(gb, sb, so):
        pltpu.make_async_copy(gb, g_hbm.at[pl.ds(0, _GRPG)], so).wait()
        pltpu.make_async_copy(sb, s_hbm.at[pl.ds(0, _GRPG)], so).wait()

    base(0, gb0, sb0, sg0)

    def loop_body(u, _):
        e = 2 * u
        wait_g(gb0, sb0, sg0)
        addg(e, gb0, sb0, sg0)

        @pl.when(u > 0)
        def _():
            wait_o(gb1, sb1, so1)

        base(e + 1, gb1, sb1, sg1)
        wait_g(gb0, sb0, sg0)
        wout(e, gb0, sb0, so0)
        wait_g(gb1, sb1, sg1)
        addg(e + 1, gb1, sb1, sg1)
        wait_o(gb0, sb0, so0)
        base(e + 2, gb0, sb0, sg0)
        wait_g(gb1, sb1, sg1)
        wout(e + 1, gb1, sb1, so1)
        return 0

    lax.fori_loop(0, _GPWG // 2, loop_body, 0)
    wait_g(gb0, sb0, sg0)
    wait_o(gb1, sb1, so1)


def _sc_gather(TA, TB, posp16, negp16, row2dg, col2dg):
    mesh = plsc.VectorSubcoreMesh(core_axis_name="c", subcore_axis_name="s",
                                  num_cores=_NC, num_subcores=_NS)
    f = functools.partial(
        pl.kernel,
        out_type=[
            jax.ShapeDtypeStruct((_E_PAD, HID), jnp.float32),
            jax.ShapeDtypeStruct((_E_PAD, 16), jnp.float32),
        ],
        mesh=mesh,
        scratch_types=[
            pltpu.VMEM((_GPWG + 8, _GRPG), jnp.int32),
            pltpu.VMEM((_GPWG + 8, _GRPG), jnp.int32),
            pltpu.VMEM((_GRPG, HID), jnp.float32),
            pltpu.VMEM((_GRPG, 16), jnp.float32),
            pltpu.VMEM((_GRPG, HID), jnp.float32),
            pltpu.VMEM((_GRPG, 16), jnp.float32),
            pltpu.SemaphoreType.DMA,
            pltpu.SemaphoreType.DMA,
            pltpu.SemaphoreType.DMA,
            pltpu.SemaphoreType.DMA,
        ],
        compiler_params=pltpu.CompilerParams(use_tc_tiling_on_sc=False),
    )(_sc_gather_body)
    return f(TA, TB, posp16, negp16, row2dg, col2dg)



def _sc_scatter_body(p_hbm, r2d_hbm, z_hbm, acc_hbm, pbuf, idxbuf, shared, sdma):
    cid = lax.axis_index("c")
    sid = lax.axis_index("s")
    wid = cid * _NS + sid

    @pl.when(sid == 0)
    def _():
        pltpu.sync_copy(z_hbm, shared)

    plsc.subcore_barrier()
    base_g = wid * _GPW

    def batch_body(b, _):
        gb = base_g + b * 16
        pltpu.sync_copy(r2d_hbm.at[pl.ds(gb, 16)], idxbuf)
        pltpu.sync_copy(p_hbm.at[pl.ds(gb * _GRP, 16 * _GRP)], pbuf)
        copies = []
        for j in range(16):
            copies.append(pltpu.async_copy(
                pbuf.at[pl.ds(j * _GRP, _GRP)], shared.at[idxbuf.at[j]],
                sdma, add=True))
        for c in copies:
            c.wait()
        return 0

    lax.fori_loop(0, _GPW // 16, batch_body, 0)
    plsc.subcore_barrier()

    @pl.when(sid == 0)
    def _():
        pltpu.sync_copy(shared, acc_hbm.at[cid])


def _sc_scatter(P, row2d, zeros_n16):
    mesh = plsc.VectorSubcoreMesh(core_axis_name="c", subcore_axis_name="s",
                                  num_cores=_NC, num_subcores=_NS)
    f = functools.partial(
        pl.kernel,
        out_type=jax.ShapeDtypeStruct((_NC, N, 16), jnp.float32),
        mesh=mesh,
        scratch_types=[
            pltpu.VMEM((16 * _GRP, 16), jnp.float32),
            pltpu.VMEM((16, _GRP), jnp.int32),
            pltpu.VMEM_SHARED((N, 16), jnp.float32),
            pltpu.SemaphoreType.DMA,
        ],
        compiler_params=pltpu.CompilerParams(use_tc_tiling_on_sc=False),
    )(_sc_scatter_body)
    return f(P, row2d, zeros_n16)



_EB = 4096


def _stage3_body(g_ref, ea_ref, s_ref, me_ref, b1_ref, wd_ref, w2p_ref, b2p_ref,
                 p_ref):
    g = g_ref[...]
    ea = ea_ref[...]
    st = s_ref[...].T
    dx = st[0:1, :]
    dy = st[1:2, :]
    dz = st[2:3, :]
    r2 = dx * dx + dy * dy + dz * dz
    rn = jnp.sqrt(r2)
    r_col = rn.T
    z = (g + jnp.dot(ea, me_ref[...], preferred_element_type=jnp.float32)
         + b1_ref[...] + r_col * wd_ref[...])
    h = z * _sigmoid(z)
    m = jnp.dot(h, w2p_ref[...], preferred_element_type=jnp.float32) + b2p_ref[...]
    mt = m.T
    inv = 1.0 / jnp.maximum(rn, 1e-12)
    ux = dx * inv
    uy = dy * inv
    uz = dz * inv
    m0 = mt[0:1, :]
    m1 = mt[1:2, :]
    m2 = mt[2:3, :]
    eid = pl.program_id(0) * _EB + lax.broadcasted_iota(jnp.int32, (1, _EB), 1)
    valid = (eid < E).astype(jnp.float32)
    zeros = jnp.zeros_like(m0)
    pt = jnp.concatenate([
        valid * m0,
        valid * (m1 * ux), valid * (m1 * uy), valid * (m1 * uz),
        valid * (m2 * (_S3 * ux * uz)),
        valid * (m2 * (_S3 * ux * uy)),
        valid * (m2 * (uy * uy - 0.5 * (ux * ux + uz * uz))),
        valid * (m2 * (_S3 * uy * uz)),
        valid * (m2 * (0.5 * _S3 * (uz * uz - ux * ux))),
        valid,
        zeros, zeros, zeros, zeros, zeros, zeros,
    ], axis=0)
    p_ref[...] = pt.T


def _stage3(G, ea, S, me, b1v, wdv, w2p, b2p):
    grid = _E_PAD // _EB
    return pl.pallas_call(
        _stage3_body,
        grid=(grid,),
        in_specs=[
            pl.BlockSpec((_EB, HID), lambda i: (i, 0)),
            pl.BlockSpec((_EB, EA), lambda i: (i, 0)),
            pl.BlockSpec((_EB, 16), lambda i: (i, 0)),
            pl.BlockSpec((EA, HID), lambda i: (0, 0)),
            pl.BlockSpec((1, HID), lambda i: (0, 0)),
            pl.BlockSpec((1, HID), lambda i: (0, 0)),
            pl.BlockSpec((HID, 8), lambda i: (0, 0)),
            pl.BlockSpec((1, 8), lambda i: (0, 0)),
        ],
        out_specs=pl.BlockSpec((_EB, 16), lambda i: (i, 0)),
        out_shape=jax.ShapeDtypeStruct((_E_PAD, 16), jnp.float32),
        interpret=_INTERP,
    )(G, ea, S, me, b1v, wdv, w2p, b2p)



def _stage5_body(acc0_ref, acc1_ref, nsc_ref, out_ref):
    t = acc0_ref[...] + acc1_ref[...]
    ns = t[:, 0:9] / jnp.maximum(t[:, 9:10], 1.0)
    out_ref[...] = ns + nsc_ref[:, 0:9]


def _stage5(acc0, acc1, nsc):
    return pl.pallas_call(
        _stage5_body,
        out_shape=jax.ShapeDtypeStruct((N, 9), jnp.float32),
        interpret=_INTERP,
    )(acc0, acc1, nsc)



def kernel(node_feat, node_pos, edge_index, edge_attr, data_batch,
           W1, b1, W2, b2, Wc1, bc1, Wc2, bc2):
    row = edge_index[0]
    col = edge_index[1]

    mf = W1[:, 1:1 + HID].T
    mcol = W1[:, 1 + HID:1 + 2 * HID].T
    me = W1[:, 1 + 2 * HID:].T
    wdv = W1[:, 0].reshape(1, HID)
    b1v = b1.reshape(1, HID)
    w2p = jnp.zeros((HID, 8), jnp.float32).at[:, 0:3].set(W2.T)
    b2p = jnp.zeros((1, 8), jnp.float32).at[0, 0:3].set(b2)
    wc1t = Wc1.T
    bc1v = bc1.reshape(1, HID)
    wc2p = jnp.zeros((HID, 8), jnp.float32).at[:, 0:3].set(Wc2.T)
    bc2p = jnp.zeros((1, 8), jnp.float32).at[0, 0:3].set(bc2)

    posp = jnp.concatenate(
        [node_pos, jnp.ones((N, 1), jnp.float32)], axis=1)
    db2 = data_batch.reshape(N, 1)

    TA, TB, nsc = _stage1(node_feat, posp, db2, mf, mcol, wc1t, bc1v, wc2p, bc2p)

    pad_rows = _IDX_ROWS - E // _GRP
    row2d = jnp.pad(row.reshape(E // _GRP, _GRP), ((0, pad_rows), (0, 0)))
    pad_rows_g = _IDX_ROWS_G - E // _GRPG
    row2dg = jnp.pad(row.reshape(E // _GRPG, _GRPG), ((0, pad_rows_g), (0, 0)))
    col2dg = jnp.pad(col.reshape(E // _GRPG, _GRPG), ((0, pad_rows_g), (0, 0)))
    eap = jnp.pad(edge_attr, ((0, _E_PAD - E), (0, 0)))
    posp16 = jnp.pad(node_pos, ((0, 0), (0, 13)))
    negp16 = jnp.pad(-node_pos, ((0, 0), (0, 13)))

    G, S = _sc_gather(TA, TB, posp16, negp16, row2dg, col2dg)

    P = _stage3(G, eap, S, me, b1v, wdv, w2p, b2p)

    acc = _sc_scatter(P, row2d, jnp.zeros((N, 16), jnp.float32))

    return _stage5(acc[0], acc[1], nsc)

# --- scband reference (transcript-rebuilt; emitter-appended) ---
"""Pipeline reference for scband-sh-init-70265664962766 (READ-ONLY COPY).

The authoritative reference and input builder live on the scoring server;
editing this copy changes nothing except your own understanding.
"""

import math
import jax, jax.numpy as jnp
import numpy as np

N = 10000
E = 320000
HID = 128
EA = 16
NB = 64
WN = 3  # weight_numel of FullyConnectedTensorProduct(sh_irreps, '1x0e', sh_irreps) with max_ell=2: one path per l in {0,1,2}, mul=1 each


def _sph(vec):
    # e3nn.o3.SphericalHarmonics(Irreps.spherical_harmonics(2), normalize=True, normalization='norm')
    # normalize=True: unit-normalize input; normalization='norm': each degree-l block has unit norm for unit input.
    r = jnp.sqrt(jnp.sum(vec * vec, axis=-1, keepdims=True))
    u = vec / jnp.maximum(r, 1e-12)
    x = u[..., 0]
    y = u[..., 1]
    z = u[..., 2]
    s3 = math.sqrt(3.0)
    sh0 = jnp.ones_like(x)[..., None]
    sh1 = u
    sh2 = jnp.stack([
        s3 * x * z,
        s3 * x * y,
        y * y - 0.5 * (x * x + z * z),
        s3 * y * z,
        0.5 * s3 * (z * z - x * x),
    ], axis=-1)
    return jnp.concatenate([sh0, sh1, sh2], axis=-1)


def _tp(sh, w):
    # FullyConnectedTensorProduct(sh, '1x0e', sh, shared_weights=False) applied with scalar input = 1.
    # With mul-1 irreps and a scalar second input, e3nn's w3j(l,0,l)=I/sqrt(2l+1) combined with the
    # 'component' path weight sqrt(2l+1) reduces exactly to per-degree scaling by the external weight.
    return jnp.concatenate([
        w[:, 0:1] * sh[:, 0:1],
        w[:, 1:2] * sh[:, 1:4],
        w[:, 2:3] * sh[:, 4:9],
    ], axis=-1)


def _mlp(x, W1, b1, W2, b2):
    h = jax.nn.silu(x @ W1.T + b1)
    return h @ W2.T + b2


def setup_inputs(seed: int = 0) -> dict:
    key = jax.random.key(seed)
    ks = jax.random.split(key, 16)
    node_feat = jax.random.normal(ks[0], (N, HID), dtype=jnp.float32)
    node_pos = jax.random.normal(ks[1], (N, 3), dtype=jnp.float32)
    row = jax.random.randint(ks[2], (E,), 0, N, dtype=jnp.int32)
    off = jax.random.randint(ks[3], (E,), 1, N, dtype=jnp.int32)
    col = (row + off) % N  # avoid self-loops so diff_pos != 0 (norm/normalize well-defined)
    edge_index = jnp.stack([row, col], axis=0)
    edge_attr = jax.random.normal(ks[4], (E, EA), dtype=jnp.float32)
    data_batch = jnp.sort(jax.random.randint(ks[5], (N,), 0, NB, dtype=jnp.int32))
    din = 2 * HID + EA + 1
    s1 = 1.0 / math.sqrt(din)
    s2 = 1.0 / math.sqrt(HID)
    W1 = jax.random.uniform(ks[6], (HID, din), minval=-s1, maxval=s1, dtype=jnp.float32)
    b1 = jax.random.uniform(ks[7], (HID,), minval=-s1, maxval=s1, dtype=jnp.float32)
    W2 = jax.random.uniform(ks[8], (WN, HID), minval=-s2, maxval=s2, dtype=jnp.float32)
    b2 = jax.random.uniform(ks[9], (WN,), minval=-s2, maxval=s2, dtype=jnp.float32)
    Wc1 = jax.random.uniform(ks[10], (HID, HID), minval=-s2, maxval=s2, dtype=jnp.float32)
    bc1 = jax.random.uniform(ks[11], (HID,), minval=-s2, maxval=s2, dtype=jnp.float32)
    Wc2 = jax.random.uniform(ks[12], (WN, HID), minval=-s2, maxval=s2, dtype=jnp.float32)
    bc2 = jax.random.uniform(ks[13], (WN,), minval=-s2, maxval=s2, dtype=jnp.float32)
    return {
        'node_feat': node_feat, 'node_pos': node_pos, 'edge_index': edge_index,
        'edge_attr': edge_attr, 'data_batch': data_batch,
        'W1': W1, 'b1': b1, 'W2': W2, 'b2': b2,
        'Wc1': Wc1, 'bc1': bc1, 'Wc2': Wc2, 'bc2': bc2,
    }


def reference(node_feat, node_pos, edge_index, edge_attr, data_batch,
              W1, b1, W2, b2, Wc1, bc1, Wc2, bc2):
    row = edge_index[0]
    col = edge_index[1]
    diff_pos = node_pos[row] - node_pos[col]
    dist = jnp.linalg.norm(diff_pos, axis=-1, keepdims=True)
    msg = jnp.concatenate([dist, node_feat[row], node_feat[col], edge_attr], axis=-1)
    msg = _mlp(msg, W1, b1, W2, b2)
    diff_sh = jax.lax.stop_gradient(_sph(diff_pos))  # .detach()
    diff_sh = _tp(diff_sh, msg)
    seg = jax.ops.segment_sum(diff_sh, row, num_segments=N)
    cnt = jax.ops.segment_sum(jnp.ones((E, 1), jnp.float32), row, num_segments=N)
    node_sh = seg / jnp.maximum(cnt, 1.0)  # scatter(..., reduce='mean')
    psum = jax.ops.segment_sum(node_pos, data_batch, num_segments=NB)
    pcnt = jax.ops.segment_sum(jnp.ones((N, 1), jnp.float32), data_batch, num_segments=NB)
    pos_CoM = (psum / jnp.maximum(pcnt, 1.0))[data_batch]  # global_mean_pool(...)[data_batch]
    sh_com = jax.lax.stop_gradient(_sph(node_pos - pos_CoM))  # .detach()
    node_sh_CoM = _tp(sh_com, _mlp(node_feat, Wc1, bc1, Wc2, bc2))  # NOTE: original code reuses self.sh_coff here
    return node_sh + node_sh_CoM

if __name__ == "__main__":
    import jax
    _d = setup_inputs()
    print(jax.jit(kernel)(*tuple(_d.values())))

</pallas_src>

<mosaic_0001>
#map = affine_map<(d0, d1) -> (0, 0)>
#map1 = affine_map<(d0, d1) -> (0, 0, 0)>
module attributes {stable_mosaic.version = 14 : i64} {
  func.func @_sc_scatter_body(%arg0: i32, %arg1: i32, %arg2: memref<327680x16xf32, #tpu.memory_space<hbm>>, %arg3: memref<2568x128xi32, #tpu.memory_space<hbm>>, %arg4: memref<10000x16xf32, #tpu.memory_space<hbm>>, %arg5: memref<2x10000x16xf32, #tpu.memory_space<hbm>>, %arg6: memref<2048x16xf32, #tpu.memory_space<vmem>>, %arg7: memref<16x128xi32, #tpu.memory_space<vmem>>, %arg8: memref<10000x16xf32, #tpu.memory_space<vmem_shared>>, %arg9: memref<!tpu.dma_semaphore, #tpu.memory_space<semaphore_mem>>) attributes {dimension_semantics = [#tpu.dimension_semantics<core_parallel>, #tpu.dimension_semantics<subcore_parallel>], iteration_bounds = array<i64: 2, 16>, scalar_prefetch = 0 : i64, scratch_operands = 4 : i64, tpu.core_type = #tpu.core_type<sc_vector_subcore>, window_params = [{transform_indices = #map}, {transform_indices = #map}, {transform_indices = #map}, {transform_indices = #map1}]} {
    %mul3A = arith.constant 16 : i32
    %mul3A_0 = arith.muli %arg0, %mul3A : i32
    %add3A = arith.addi %mul3A_0, %arg1 : i32
    %eq3A = arith.constant 0 : i32
    %eq3A_1 = arith.cmpi eq, %arg1, %eq3A : i32
    %convert_element_type3A = arith.extui %eq3A_1 : i1 to i32
    %cond3A = arith.constant 0 : i32
    %cond3A_2 = arith.cmpi ne, %convert_element_type3A, %cond3A : i32
    scf.if %cond3A_2 {
      "tpu.region"() ({
        %run_scoped3A = tpu.sem_alloc : memref<!tpu.dma_semaphore, #tpu.memory_space<semaphore_mem>>
        tpu.enqueue_dma source(%arg4 : memref<10000x16xf32, #tpu.memory_space<hbm>>) target(%arg8 : memref<10000x16xf32, #tpu.memory_space<vmem_shared>>) target_semaphore(%run_scoped3A : memref<!tpu.dma_semaphore, #tpu.memory_space<semaphore_mem>>)
        tpu.wait_dma2 semaphore(%run_scoped3A : memref<!tpu.dma_semaphore, #tpu.memory_space<semaphore_mem>>) src(%arg4 : memref<10000x16xf32, #tpu.memory_space<hbm>>) dst(%arg8 : memref<10000x16xf32, #tpu.memory_space<vmem_shared>>)
        tpu.yield
      }) : () -> ()
    } else {
    }
    %barrier3A = arith.constant 0 : index
    tpu.barrier barrier_id(%barrier3A)
    %mul3A_3 = arith.constant 80 : i32
    %mul3A_4 = arith.muli %add3A, %mul3A_3 : i32
    %scan3A = arith.constant 0 : i32
    %scan3A_5 = arith.constant 0 : i32
    %scan3A_6 = arith.constant 5 : i32
    %scan3A_7 = arith.addi %scan3A_5, %scan3A_6 : i32
    %scan3A_8 = arith.constant 1 : i32
    %scan3A_9 = scf.for %scan3A_17 = %scan3A_5 to %scan3A_7 step %scan3A_8 iter_args(%scan3A_18 = %scan3A) -> (i32)  : i32 {
      %mul3A_19 = arith.constant 16 : i32
      %mul3A_20 = arith.muli %scan3A_17, %mul3A_19 : i32
      %add3A_21 = arith.addi %mul3A_4, %mul3A_20 : i32
      "tpu.region"() ({
        %run_scoped3A = tpu.sem_alloc : memref<!tpu.dma_semaphore, #tpu.memory_space<semaphore_mem>>
        %dma_start3A_343 = arith.constant 0 : i32
        %dma_start3A_344 = tpu.memref_slice %arg3[%add3A_21, %dma_start3A_343] : memref<2568x128xi32, #tpu.memory_space<hbm>> -> memref<16x128xi32, #tpu.memory_space<hbm>>
        %dma_start3A_345 = arith.constant 0 : i32
        %dma_start3A_346 = tpu.memref_slice %arg3[%add3A_21, %dma_start3A_345] : memref<2568x128xi32, #tpu.memory_space<hbm>> -> memref<16x128xi32, #tpu.memory_space<hbm>>
        tpu.enqueue_dma source(%dma_start3A_346 : memref<16x128xi32, #tpu.memory_space<hbm>>) target(%arg7 : memref<16x128xi32, #tpu.memory_space<vmem>>) target_semaphore(%run_scoped3A : memref<!tpu.dma_semaphore, #tpu.memory_space<semaphore_mem>>)
        %dma_wait3A_347 = arith.constant 0 : i32
        %dma_wait3A_348 = tpu.memref_slice %arg3[%add3A_21, %dma_wait3A_347] : memref<2568x128xi32, #tpu.memory_space<hbm>> -> memref<16x128xi32, #tpu.memory_space<hbm>>
        %dma_wait3A_349 = arith.constant 0 : i32
        %dma_wait3A_350 = tpu.memref_slice %arg3[%add3A_21, %dma_wait3A_349] : memref<2568x128xi32, #tpu.memory_space<hbm>> -> memref<16x128xi32, #tpu.memory_space<hbm>>
        tpu.wait_dma2 semaphore(%run_scoped3A : memref<!tpu.dma_semaphore, #tpu.memory_space<semaphore_mem>>) src(%dma_wait3A_350 : memref<16x128xi32, #tpu.memory_space<hbm>>) dst(%arg7 : memref<16x128xi32, #tpu.memory_space<vmem>>)
        tpu.yield
      }) : () -> ()
      %mul3A_22 = arith.constant 128 : i32
      %mul3A_23 = arith.muli %add3A_21, %mul3A_22 : i32
      "tpu.region"() ({
        %run_scoped3A = tpu.sem_alloc : memref<!tpu.dma_semaphore, #tpu.memory_space<semaphore_mem>>
        %dma_start3A_343 = arith.constant 0 : i32
        %dma_start3A_344 = tpu.memref_slice %arg2[%mul3A_23, %dma_start3A_343] : memref<327680x16xf32, #tpu.memory_space<hbm>> -> memref<2048x16xf32, #tpu.memory_space<hbm>>
        %dma_start3A_345 = arith.constant 0 : i32
        %dma_start3A_346 = tpu.memref_slice %arg2[%mul3A_23, %dma_start3A_345] : memref<327680x16xf32, #tpu.memory_space<hbm>> -> memref<2048x16xf32, #tpu.memory_space<hbm>>
        tpu.enqueue_dma source(%dma_start3A_346 : memref<2048x16xf32, #tpu.memory_space<hbm>>) target(%arg6 : memref<2048x16xf32, #tpu.memory_space<vmem>>) target_semaphore(%run_scoped3A : memref<!tpu.dma_semaphore, #tpu.memory_space<semaphore_mem>>)
        %dma_wait3A_347 = arith.constant 0 : i32
        %dma_wait3A_348 = tpu.memref_slice %arg2[%mul3A_23, %dma_wait3A_347] : memref<327680x16xf32, #tpu.memory_space<hbm>> -> memref<2048x16xf32, #tpu.memory_space<hbm>>
        %dma_wait3A_349 = arith.constant 0 : i32
        %dma_wait3A_350 = tpu.memref_slice %arg2[%mul3A_23, %dma_wait3A_349] : memref<327680x16xf32, #tpu.memory_space<hbm>> -> memref<2048x16xf32, #tpu.memory_space<hbm>>
        tpu.wait_dma2 semaphore(%run_scoped3A : memref<!tpu.dma_semaphore, #tpu.memory_space<semaphore_mem>>) src(%dma_wait3A_350 : memref<2048x16xf32, #tpu.memory_space<hbm>>) dst(%arg6 : memref<2048x16xf32, #tpu.memory_space<vmem>>)
        tpu.yield
      }) : () -> ()
      %dma_start3A = arith.constant 0 : i32
      %dma_start3A_24 = arith.constant 0 : i32
      %dma_start3A_25 = arith.constant 0 : i32
      %dma_start3A_26 = tpu.memref_slice %arg6[%dma_start3A_24, %dma_start3A_25] : memref<2048x16xf32, #tpu.memory_space<vmem>> -> memref<128x16xf32, #tpu.memory_space<vmem>>
      %dma_start3A_27 = arith.constant 0 : i32
      %dma_start3A_28 = tpu.memref_slice %arg7[%dma_start3A, %dma_start3A_27] : memref<16x128xi32, #tpu.memory_space<vmem>> -> memref<1x128xi32, #tpu.memory_space<vmem>>
      %dma_start3A_29 = tpu.memref_squeeze %dma_start3A_28 : memref<1x128xi32, #tpu.memory_space<vmem>> -> memref<128xi32, #tpu.memory_space<vmem>>
      %dma_start3A_30 = arith.constant 0 : i32
      %dma_start3A_31 = arith.constant 0 : i32
      %dma_start3A_32 = tpu.memref_slice %arg8[%dma_start3A_30, %dma_start3A_31] : memref<10000x16xf32, #tpu.memory_space<vmem_shared>> -> memref<10000x16xf32, #tpu.memory_space<vmem_shared>>
      tpu.enqueue_indirect_dma source(%dma_start3A_26 : memref<128x16xf32, #tpu.memory_space<vmem>>) target(%dma_start3A_32 : memref<10000x16xf32, #tpu.memory_space<vmem_shared>>) offsets(%dma_start3A_29 : memref<128xi32, #tpu.memory_space<vmem>>) semaphore(%arg9 : memref<!tpu.dma_semaphore, #tpu.memory_space<semaphore_mem>>) {add = true}
      %dma_start3A_33 = arith.constant 1 : i32
      %dma_start3A_34 = arith.constant 128 : i32
      %dma_start3A_35 = arith.constant 0 : i32
      %dma_start3A_36 = tpu.memref_slice %arg6[%dma_start3A_34, %dma_start3A_35] : memref<2048x16xf32, #tpu.memory_space<vmem>> -> memref<128x16xf32, #tpu.memory_space<vmem>>
      %dma_start3A_37 = arith.constant 0 : i32
      %dma_start3A_38 = tpu.memref_slice %arg7[%dma_start3A_33, %dma_start3A_37] : memref<16x128xi32, #tpu.memory_space<vmem>> -> memref<1x128xi32, #tpu.memory_space<vmem>>
      %dma_start3A_39 = tpu.memref_squeeze %dma_start3A_38 : memref<1x128xi32, #tpu.memory_space<vmem>> -> memref<128xi32, #tpu.memory_space<vmem>>
      %dma_start3A_40 = arith.constant 0 : i32
      %dma_start3A_41 = arith.constant 0 : i32
      %dma_start3A_42 = tpu.memref_slice %arg8[%dma_start3A_40, %dma_start3A_41] : memref<10000x16xf32, #tpu.memory_space<vmem_shared>> -> memref<10000x16xf32, #tpu.memory_space<vmem_shared>>
      tpu.enqueue_indirect_dma source(%dma_start3A_36 : memref<128x16xf32, #tpu.memory_space<vmem>>) target(%dma_start3A_42 : memref<10000x16xf32, #tpu.memory_space<vmem_shared>>) offsets(%dma_start3A_39 : memref<128xi32, #tpu.memory_space<vmem>>) semaphore(%arg9 : memref<!tpu.dma_semaphore, #tpu.memory_space<semaphore_mem>>) {add = true}
      %dma_start3A_43 = arith.constant 2 : i32
      %dma_start3A_44 = arith.constant 256 : i32
      %dma_start3A_45 = arith.constant 0 : i32
      %dma_start3A_46 = tpu.memref_slice %arg6[%dma_start3A_44, %dma_start3A_45] : memref<2048x16xf32, #tpu.memory_space<vmem>> -> memref<128x16xf32, #tpu.memory_space<vmem>>
      %dma_start3A_47 = arith.constant 0 : i32
      %dma_start3A_48 = tpu.memref_slice %arg7[%dma_start3A_43, %dma_start3A_47] : memref<16x128xi32, #tpu.memory_space<vmem>> -> memref<1x128xi32, #tpu.memory_space<vmem>>
      %dma_start3A_49 = tpu.memref_squeeze %dma_start3A_48 : memref<1x128xi32, #tpu.memory_space<vmem>> -> memref<128xi32, #tpu.memory_space<vmem>>
      %dma_start3A_50 = arith.constant 0 : i32
      %dma_start3A_51 = arith.constant 0 : i32
      %dma_start3A_52 = tpu.memref_slice %arg8[%dma_start3A_50, %dma_start3A_51] : memref<10000x16xf32, #tpu.memory_space<vmem_shared>> -> memref<10000x16xf32, #tpu.memory_space<vmem_shared>>
      tpu.enqueue_indirect_dma source(%dma_start3A_46 : memref<128x16xf32, #tpu.memory_space<vmem>>) target(%dma_start3A_52 : memref<10000x16xf32, #tpu.memory_space<vmem_shared>>) offsets(%dma_start3A_49 : memref<128xi32, #tpu.memory_space<vmem>>) semaphore(%arg9 : memref<!tpu.dma_semaphore, #tpu.memory_space<semaphore_mem>>) {add = true}
      %dma_start3A_53 = arith.constant 3 : i32
      %dma_start3A_54 = arith.constant 384 : i32
      %dma_start3A_55 = arith.constant 0 : i32
      %dma_start3A_56 = tpu.memref_slice %arg6[%dma_start3A_54, %dma_start3A_55] : memref<2048x16xf32, #tpu.memory_space<vmem>> -> memref<128x16xf32, #tpu.memory_space<vmem>>
      %dma_start3A_57 = arith.constant 0 : i32
      %dma_start3A_58 = tpu.memref_slice %arg7[%dma_start3A_53, %dma_start3A_57] : memref<16x128xi32, #tpu.memory_space<vmem>> -> memref<1x128xi32, #tpu.memory_space<vmem>>
      %dma_start3A_59 = tpu.memref_squeeze %dma_start3A_58 : memref<1x128xi32, #tpu.memory_space<vmem>> -> memref<128xi32, #tpu.memory_space<vmem>>
      %dma_start3A_60 = arith.constant 0 : i32
      %dma_start3A_61 = arith.constant 0 : i32
      %dma_start3A_62 = tpu.memref_slice %arg8[%dma_start3A_60, %dma_start3A_61] : memref<10000x16xf32, #tpu.memory_space<vmem_shared>> -> memref<10000x16xf32, #tpu.memory_space<vmem_shared>>
      tpu.enqueue_indirect_dma source(%dma_start3A_56 : memref<128x16xf32, #tpu.memory_space<vmem>>) target(%dma_start3A_62 : memref<10000x16xf32, #tpu.memory_space<vmem_shared>>) offsets(%dma_start3A_59 : memref<128xi32, #tpu.memory_space<vmem>>) semaphore(%arg9 : memref<!tpu.dma_semaphore, #tpu.memory_space<semaphore_mem>>) {add = true}
      %dma_start3A_63 = arith.constant 4 : i32
      %dma_start3A_64 = arith.constant 512 : i32
      %dma_start3A_65 = arith.constant 0 : i32
      %dma_start3A_66 = tpu.memref_slice %arg6[%dma_start3A_64, %dma_start3A_65] : memref<2048x16xf32, #tpu.memory_space<vmem>> -> memref<128x16xf32, #tpu.memory_space<vmem>>
      %dma_start3A_67 = arith.constant 0 : i32
      %dma_start3A_68 = tpu.memref_slice %arg7[%dma_start3A_63, %dma_start3A_67] : memref<16x128xi32, #tpu.memory_space<vmem>> -> memref<1x128xi32, #tpu.memory_space<vmem>>
      %dma_start3A_69 = tpu.memref_squeeze %dma_start3A_68 : memref<1x128xi32, #tpu.memory_space<vmem>> -> memref<128xi32, #tpu.memory_space<vmem>>
      %dma_start3A_70 = arith.constant 0 : i32
      %dma_start3A_71 = arith.constant 0 : i32
      %dma_start3A_72 = tpu.memref_slice %arg8[%dma_start3A_70, %dma_start3A_71] : memref<10000x16xf32, #tpu.memory_space<vmem_shared>> -> memref<10000x16xf32, #tpu.memory_space<vmem_shared>>
      tpu.enqueue_indirect_dma source(%dma_start3A_66 : memref<128x16xf32, #tpu.memory_space<vmem>>) target(%dma_start3A_72 : memref<10000x16xf32, #tpu.memory_space<vmem_shared>>) offsets(%dma_start3A_69 : memref<128xi32, #tpu.memory_space<vmem>>) semaphore(%arg9 : memref<!tpu.dma_semaphore, #tpu.memory_space<semaphore_mem>>) {add = true}
      %dma_start3A_73 = arith.constant 5 : i32
      %dma_start3A_74 = arith.constant 640 : i32
      %dma_start3A_75 = arith.constant 0 : i32
      %dma_start3A_76 = tpu.memref_slice %arg6[%dma_start3A_74, %dma_start3A_75] : memref<2048x16xf32, #tpu.memory_space<vmem>> -> memref<128x16xf32, #tpu.memory_space<vmem>>
      %dma_start3A_77 = arith.constant 0 : i32
      %dma_start3A_78 = tpu.memref_slice %arg7[%dma_start3A_73, %dma_start3A_77] : memref<16x128xi32, #tpu.memory_space<vmem>> -> memref<1x128xi32, #tpu.memory_space<vmem>>
      %dma_start3A_79 = tpu.memref_squeeze %dma_start3A_78 : memref<1x128xi32, #tpu.memory_space<vmem>> -> memref<128xi32, #tpu.memory_space<vmem>>
      %dma_start3A_80 = arith.constant 0 : i32
      %dma_start3A_81 = arith.constant 0 : i32
      %dma_start3A_82 = tpu.memref_slice %arg8[%dma_start3A_80, %dma_start3A_81] : memref<10000x16xf32, #tpu.memory_space<vmem_shared>> -> memref<10000x16xf32, #tpu.memory_space<vmem_shared>>
      tpu.enqueue_indirect_dma source(%dma_start3A_76 : memref<128x16xf32, #tpu.memory_space<vmem>>) target(%dma_start3A_82 : memref<10000x16xf32, #tpu.memory_space<vmem_shared>>) offsets(%dma_start3A_79 : memref<128xi32, #tpu.memory_space<vmem>>) semaphore(%arg9 : memref<!tpu.dma_semaphore, #tpu.memory_space<semaphore_mem>>) {add = true}
      %dma_start3A_83 = arith.constant 6 : i32
      %dma_start3A_84 = arith.constant 768 : i32
      %dma_start3A_85 = arith.constant 0 : i32
      %dma_start3A_86 = tpu.memref_slice %arg6[%dma_start3A_84, %dma_start3A_85] : memref<2048x16xf32, #tpu.memory_space<vmem>> -> memref<128x16xf32, #tpu.memory_space<vmem>>
      %dma_start3A_87 = arith.constant 0 : i32
      %dma_start3A_88 = tpu.memref_slice %arg7[%dma_start3A_83, %dma_start3A_87] : memref<16x128xi32, #tpu.memory_space<vmem>> -> memref<1x128xi32, #tpu.memory_space<vmem>>
      %dma_start3A_89 = tpu.memref_squeeze %dma_start3A_88 : memref<1x128xi32, #tpu.memory_space<vmem>> -> memref<128xi32, #tpu.memory_space<vmem>>
      %dma_start3A_90 = arith.constant 0 : i32
      %dma_start3A_91 = arith.constant 0 : i32
      %dma_start3A_92 = tpu.memref_slice %arg8[%dma_start3A_90, %dma_start3A_91] : memref<10000x16xf32, #tpu.memory_space<vmem_shared>> -> memref<10000x16xf32, #tpu.memory_space<vmem_shared>>
      tpu.enqueue_indirect_dma source(%dma_start3A_86 : memref<128x16xf32, #tpu.memory_space<vmem>>) target(%dma_start3A_92 : memref<10000x16xf32, #tpu.memory_space<vmem_shared>>) offsets(%dma_start3A_89 : memref<128xi32, #tpu.memory_space<vmem>>) semaphore(%arg9 : memref<!tpu.dma_semaphore, #tpu.memory_space<semaphore_mem>>) {add = true}
      %dma_start3A_93 = arith.constant 7 : i32
      %dma_start3A_94 = arith.constant 896 : i32
      %dma_start3A_95 = arith.constant 0 : i32
      %dma_start3A_96 = tpu.memref_slice %arg6[%dma_start3A_94, %dma_start3A_95] : memref<2048x16xf32, #tpu.memory_space<vmem>> -> memref<128x16xf32, #tpu.memory_space<vmem>>
      %dma_start3A_97 = arith.constant 0 : i32
      %dma_start3A_98 = tpu.memref_slice %arg7[%dma_start3A_93, %dma_start3A_97] : memref<16x128xi32, #tpu.memory_space<vmem>> -> memref<1x128xi32, #tpu.memory_space<vmem>>
      %dma_start3A_99 = tpu.memref_squeeze %dma_start3A_98 : memref<1x128xi32, #tpu.memory_space<vmem>> -> memref<128xi32, #tpu.memory_space<vmem>>
      %dma_start3A_100 = arith.constant 0 : i32
      %dma_start3A_101 = arith.constant 0 : i32
      %dma_start3A_102 = tpu.memref_slice %arg8[%dma_start3A_100, %dma_start3A_101] : memref<10000x16xf32, #tpu.memory_space<vmem_shared>> -> memref<10000x16xf32, #tpu.memory_space<vmem_shared>>
      tpu.enqueue_indirect_dma source(%dma_start3A_96 : memref<128x16xf32, #tpu.memory_space<vmem>>) target(%dma_start3A_102 : memref<10000x16xf32, #tpu.memory_space<vmem_shared>>) offsets(%dma_start3A_99 : memref<128xi32, #tpu.memory_space<vmem>>) semaphore(%arg9 : memref<!tpu.dma_semaphore, #tpu.memory_space<semaphore_mem>>) {add = true}
      %dma_start3A_103 = arith.constant 8 : i32
      %dma_start3A_104 = arith.constant 1024 : i32
      %dma_start3A_105 = arith.constant 0 : i32
      %dma_start3A_106 = tpu.memref_slice %arg6[%dma_start3A_104, %dma_start3A_105] : memref<2048x16xf32, #tpu.memory_space<vmem>> -> memref<128x16xf32, #tpu.memory_space<vmem>>
      %dma_start3A_107 = arith.constant 0 : i32
      %dma_start3A_108 = tpu.memref_slice %arg7[%dma_start3A_103, %dma_start3A_107] : memref<16x128xi32, #tpu.memory_space<vmem>> -> memref<1x128xi32, #tpu.memory_space<vmem>>
      %dma_start3A_109 = tpu.memref_squeeze %dma_start3A_108 : memref<1x128xi32, #tpu.memory_space<vmem>> -> memref<128xi32, #tpu.memory_space<vmem>>
      %dma_start3A_110 = arith.constant 0 : i32
      %dma_start3A_111 = arith.constant 0 : i32
      %dma_start3A_112 = tpu.memref_slice %arg8[%dma_start3A_110, %dma_start3A_111] : memref<10000x16xf32, #tpu.memory_space<vmem_shared>> -> memref<10000x16xf32, #tpu.memory_space<vmem_shared>>
      tpu.enqueue_indirect_dma source(%dma_start3A_106 : memref<128x16xf32, #tpu.memory_space<vmem>>) target(%dma_start3A_112 : memref<10000x16xf32, #tpu.memory_space<vmem_shared>>) offsets(%dma_start3A_109 : memref<128xi32, #tpu.memory_space<vmem>>) semaphore(%arg9 : memref<!tpu.dma_semaphore, #tpu.memory_space<semaphore_mem>>) {add = true}
      %dma_start3A_113 = arith.constant 9 : i32
      %dma_start3A_114 = arith.constant 1152 : i32
      %dma_start3A_115 = arith.constant 0 : i32
      %dma_start3A_116 = tpu.memref_slice %arg6[%dma_start3A_114, %dma_start3A_115] : memref<2048x16xf32, #tpu.memory_space<vmem>> -> memref<128x16xf32, #tpu.memory_space<vmem>>
      %dma_start3A_117 = arith.constant 0 : i32
      %dma_start3A_118 = tpu.memref_slice %arg7[%dma_start3A_113, %dma_start3A_117] : memref<16x128xi32, #tpu.memory_space<vmem>> -> memref<1x128xi32, #tpu.memory_space<vmem>>
      %dma_start3A_119 = tpu.memref_squeeze %dma_start3A_118 : memref<1x128xi32, #tpu.memory_space<vmem>> -> memref<128xi32, #tpu.memory_space<vmem>>
      %dma_start3A_120 = arith.constant 0 : i32
      %dma_start3A_121 = arith.constant 0 : i32
      %dma_start3A_122 = tpu.memref_slice %arg8[%dma_start3A_120, %dma_start3A_121] : memref<10000x16xf32, #tpu.memory_space<vmem_shared>> -> memref<10000x16xf32, #tpu.memory_space<vmem_shared>>
      tpu.enqueue_indirect_dma source(%dma_start3A_116 : memref<128x16xf32, #tpu.memory_space<vmem>>) target(%dma_start3A_122 : memref<10000x16xf32, #tpu.memory_space<vmem_shared>>) offsets(%dma_start3A_119 : memref<128xi32, #tpu.memory_space<vmem>>) semaphore(%arg9 : memref<!tpu.dma_semaphore, #tpu.memory_space<semaphore_mem>>) {add = true}
      %dma_start3A_123 = arith.constant 10 : i32
      %dma_start3A_124 = arith.constant 1280 : i32
      %dma_start3A_125 = arith.constant 0 : i32
      %dma_start3A_126 = tpu.memref_slice %arg6[%dma_start3A_124, %dma_start3A_125] : memref<2048x16xf32, #tpu.memory_space<vmem>> -> memref<128x16xf32, #tpu.memory_space<vmem>>
      %dma_start3A_127 = arith.constant 0 : i32
      %dma_start3A_128 = tpu.memref_slice %arg7[%dma_start3A_123, %dma_start3A_127] : memref<16x128xi32, #tpu.memory_space<vmem>> -> memref<1x128xi32, #tpu.memory_space<vmem>>
      %dma_start3A_129 = tpu.memref_squeeze %dma_start3A_128 : memref<1x128xi32, #tpu.memory_space<vmem>> -> memref<128xi32, #tpu.memory_space<vmem>>
      %dma_start3A_130 = arith.constant 0 : i32
      %dma_start3A_131 = arith.constant 0 : i32
      %dma_start3A_132 = tpu.memref_slice %arg8[%dma_start3A_130, %dma_start3A_131] : memref<10000x16xf32, #tpu.memory_space<vmem_shared>> -> memref<10000x16xf32, #tpu.memory_space<vmem_shared>>
      tpu.enqueue_indirect_dma source(%dma_start3A_126 : memref<128x16xf32, #tpu.memory_space<vmem>>) target(%dma_start3A_132 : memref<10000x16xf32, #tpu.memory_space<vmem_shared>>) offsets(%dma_start3A_129 : memref<128xi32, #tpu.memory_space<vmem>>) semaphore(%arg9 : memref<!tpu.dma_semaphore, #tpu.memory_space<semaphore_mem>>) {add = true}
      %dma_start3A_133 = arith.constant 11 : i32
      %dma_start3A_134 = arith.constant 1408 : i32
      %dma_start3A_135 = arith.constant 0 : i32
      %dma_start3A_136 = tpu.memref_slice %arg6[%dma_start3A_134, %dma_start3A_135] : memref<2048x16xf32, #tpu.memory_space<vmem>> -> memref<128x16xf32, #tpu.memory_space<vmem>>
      %dma_start3A_137 = arith.constant 0 : i32
      %dma_start3A_138 = tpu.memref_slice %arg7[%dma_start3A_133, %dma_start3A_137] : memref<16x128xi32, #tpu.memory_space<vmem>> -> memref<1x128xi32, #tpu.memory_space<vmem>>
      %dma_start3A_139 = tpu.memref_squeeze %dma_start3A_138 : memref<1x128xi32, #tpu.memory_space<vmem>> -> memref<128xi32, #tpu.memory_space<vmem>>
      %dma_start3A_140 = arith.constant 0 : i32
      %dma_start3A_141 = arith.constant 0 : i32
      %dma_start3A_142 = tpu.memref_slice %arg8[%dma_start3A_140, %dma_start3A_141] : memref<10000x16xf32, #tpu.memory_space<vmem_shared>> -> memref<10000x16xf32, #tpu.memory_space<vmem_shared>>
      tpu.enqueue_indirect_dma source(%dma_start3A_136 : memref<128x16xf32, #tpu.memory_space<vmem>>) target(%dma_start3A_142 : memref<10000x16xf32, #tpu.memory_space<vmem_shared>>) offsets(%dma_start3A_139 : memref<128xi32, #tpu.memory_space<vmem>>) semaphore(%arg9 : memref<!tpu.dma_semaphore, #tpu.memory_space<semaphore_mem>>) {add = true}
      %dma_start3A_143 = arith.constant 12 : i32
      %dma_start3A_144 = arith.constant 1536 : i32
      %dma_start3A_145 = arith.constant 0 : i32
      %dma_start3A_146 = tpu.memref_slice %arg6[%dma_start3A_144, %dma_start3A_145] : memref<2048x16xf32, #tpu.memory_space<vmem>> -> memref<128x16xf32, #tpu.memory_space<vmem>>
      %dma_start3A_147 = arith.constant 0 : i32
      %dma_start3A_148 = tpu.memref_slice %arg7[%dma_start3A_143, %dma_start3A_147] : memref<16x128xi32, #tpu.memory_space<vmem>> -> memref<1x128xi32, #tpu.memory_space<vmem>>
      %dma_start3A_149 = tpu.memref_squeeze %dma_start3A_148 : memref<1x128xi32, #tpu.memory_space<vmem>> -> memref<128xi32, #tpu.memory_space<vmem>>
      %dma_start3A_150 = arith.constant 0 : i32
      %dma_start3A_151 = arith.constant 0 : i32
      %dma_start3A_152 = tpu.memref_slice %arg8[%dma_start3A_150, %dma_start3A_151] : memref<10000x16xf32, #tpu.memory_space<vmem_shared>> -> memref<10000x16xf32, #tpu.memory_space<vmem_shared>>
      tpu.enqueue_indirect_dma source(%dma_start3A_146 : memref<128x16xf32, #tpu.memory_space<vmem>>) target(%dma_start3A_152 : memref<10000x16xf32, #tpu.memory_space<vmem_shared>>) offsets(%dma_start3A_149 : memref<128xi32, #tpu.memory_space<vmem>>) semaphore(%arg9 : memref<!tpu.dma_semaphore, #tpu.memory_space<semaphore_mem>>) {add = true}
      %dma_start3A_153 = arith.constant 13 : i32
      %dma_start3A_154 = arith.constant 1664 : i32
      %dma_start3A_155 = arith.constant 0 : i32
      %dma_start3A_156 = tpu.memref_slice %arg6[%dma_start3A_154, %dma_start3A_155] : memref<2048x16xf32, #tpu.memory_space<vmem>> -> memref<128x16xf32, #tpu.memory_space<vmem>>
      %dma_start3A_157 = arith.constant 0 : i32
      %dma_start3A_158 = tpu.memref_slice %arg7[%dma_start3A_153, %dma_start3A_157] : memref<16x128xi32, #tpu.memory_space<vmem>> -> memref<1x128xi32, #tpu.memory_space<vmem>>
      %dma_start3A_159 = tpu.memref_squeeze %dma_start3A_158 : memref<1x128xi32, #tpu.memory_space<vmem>> -> memref<128xi32, #tpu.memory_space<vmem>>
      %dma_start3A_160 = arith.constant 0 : i32
      %dma_start3A_161 = arith.constant 0 : i32
      %dma_start3A_162 = tpu.memref_slice %arg8[%dma_start3A_160, %dma_start3A_161] : memref<10000x16xf32, #tpu.memory_space<vmem_shared>> -> memref<10000x16xf32, #tpu.memory_space<vmem_shared>>
      tpu.enqueue_indirect_dma source(%dma_start3A_156 : memref<128x16xf32, #tpu.memory_space<vmem>>) target(%dma_start3A_162 : memref<10000x16xf32, #tpu.memory_space<vmem_shared>>) offsets(%dma_start3A_159 : memref<128xi32, #tpu.memory_space<vmem>>) semaphore(%arg9 : memref<!tpu.dma_semaphore, #tpu.memory_space<semaphore_mem>>) {add = true}
      %dma_start3A_163 = arith.constant 14 : i32
      %dma_start3A_164 = arith.constant 1792 : i32
      %dma_start3A_165 = arith.constant 0 : i32
      %dma_start3A_166 = tpu.memref_slice %arg6[%dma_start3A_164, %dma_start3A_165] : memref<2048x16xf32, #tpu.memory_space<vmem>> -> memref<128x16xf32, #tpu.memory_space<vmem>>
      %dma_start3A_167 = arith.constant 0 : i32
      %dma_start3A_168 = tpu.memref_slice %arg7[%dma_start3A_163, %dma_start3A_167] : memref<16x128xi32, #tpu.memory_space<vmem>> -> memref<1x128xi32, #tpu.memory_space<vmem>>
      %dma_start3A_169 = tpu.memref_squeeze %dma_start3A_168 : memref<1x128xi32, #tpu.memory_space<vmem>> -> memref<128xi32, #tpu.memory_space<vmem>>
      %dma_start3A_170 = arith.constant 0 : i32
      %dma_start3A_171 = arith.constant 0 : i32
      %dma_start3A_172 = tpu.memref_slice %arg8[%dma_start3A_170, %dma_start3A_171] : memref<10000x16xf32, #tpu.memory_space<vmem_shared>> -> memref<10000x16xf32, #tpu.memory_space<vmem_shared>>
      tpu.enqueue_indirect_dma source(%dma_start3A_166 : memref<128x16xf32, #tpu.memory_space<vmem>>) target(%dma_start3A_172 : memref<10000x16xf32, #tpu.memory_space<vmem_shared>>) offsets(%dma_start3A_169 : memref<128xi32, #tpu.memory_space<vmem>>) semaphore(%arg9 : memref<!tpu.dma_semaphore, #tpu.memory_space<semaphore_mem>>) {add = true}
      %dma_start3A_173 = arith.constant 15 : i32
      %dma_start3A_174 = arith.constant 1920 : i32
      %dma_start3A_175 = arith.constant 0 : i32
      %dma_start3A_176 = tpu.memref_slice %arg6[%dma_start3A_174, %dma_start3A_175] : memref<2048x16xf32, #tpu.memory_space<vmem>> -> memref<128x16xf32, #tpu.memory_space<vmem>>
      %dma_start3A_177 = arith.constant 0 : i32
      %dma_start3A_178 = tpu.memref_slice %arg7[%dma_start3A_173, %dma_start3A_177] : memref<16x128xi32, #tpu.memory_space<vmem>> -> memref<1x128xi32, #tpu.memory_space<vmem>>
      %dma_start3A_179 = tpu.memref_squeeze %dma_start3A_178 : memref<1x128xi32, #tpu.memory_space<vmem>> -> memref<128xi32, #tpu.memory_space<vmem>>
      %dma_start3A_180 = arith.constant 0 : i32
      %dma_start3A_181 = arith.constant 0 : i32
      %dma_start3A_182 = tpu.memref_slice %arg8[%dma_start3A_180, %dma_start3A_181] : memref<10000x16xf32, #tpu.memory_space<vmem_shared>> -> memref<10000x16xf32, #tpu.memory_space<vmem_shared>>
      tpu.enqueue_indirect_dma source(%dma_start3A_176 : memref<128x16xf32, #tpu.memory_space<vmem>>) target(%dma_start3A_182 : memref<10000x16xf32, #tpu.memory_space<vmem_shared>>) offsets(%dma_start3A_179 : memref<128xi32, #tpu.memory_space<vmem>>) semaphore(%arg9 : memref<!tpu.dma_semaphore, #tpu.memory_space<semaphore_mem>>) {add = true}
      %dma_wait3A = arith.constant 0 : i32
      %dma_wait3A_183 = arith.constant 0 : i32
      %dma_wait3A_184 = arith.constant 0 : i32
      %dma_wait3A_185 = tpu.memref_slice %arg6[%dma_wait3A_183, %dma_wait3A_184] : memref<2048x16xf32, #tpu.memory_space<vmem>> -> memref<128x16xf32, #tpu.memory_space<vmem>>
      %dma_wait3A_186 = arith.constant 0 : i32
      %dma_wait3A_187 = tpu.memref_slice %arg7[%dma_wait3A, %dma_wait3A_186] : memref<16x128xi32, #tpu.memory_space<vmem>> -> memref<1x128xi32, #tpu.memory_space<vmem>>
      %dma_wait3A_188 = tpu.memref_squeeze %dma_wait3A_187 : memref<1x128xi32, #tpu.memory_space<vmem>> -> memref<128xi32, #tpu.memory_space<vmem>>
      %dma_wait3A_189 = arith.constant 0 : i32
      %dma_wait3A_190 = arith.constant 0 : i32
      %dma_wait3A_191 = tpu.memref_slice %arg8[%dma_wait3A_189, %dma_wait3A_190] : memref<10000x16xf32, #tpu.memory_space<vmem_shared>> -> memref<10000x16xf32, #tpu.memory_space<vmem_shared>>
      tpu.wait_indirect_dma semaphore(%arg9 : memref<!tpu.dma_semaphore, #tpu.memory_space<semaphore_mem>>) src(%dma_wait3A_185 : memref<128x16xf32, #tpu.memory_space<vmem>>) dst(%dma_wait3A_191 : memref<10000x16xf32, #tpu.memory_space<vmem_shared>>)
      %dma_wait3A_192 = arith.constant 1 : i32
      %dma_wait3A_193 = arith.constant 128 : i32
      %dma_wait3A_194 = arith.constant 0 : i32
      %dma_wait3A_195 = tpu.memref_slice %arg6[%dma_wait3A_193, %dma_wait3A_194] : memref<2048x16xf32, #tpu.memory_space<vmem>> -> memref<128x16xf32, #tpu.memory_space<vmem>>
      %dma_wait3A_196 = arith.constant 0 : i32
      %dma_wait3A_197 = tpu.memref_slice %arg7[%dma_wait3A_192, %dma_wait3A_196] : memref<16x128xi32, #tpu.memory_space<vmem>> -> memref<1x128xi32, #tpu.memory_space<vmem>>
      %dma_wait3A_198 = tpu.memref_squeeze %dma_wait3A_197 : memref<1x128xi32, #tpu.memory_space<vmem>> -> memref<128xi32, #tpu.memory_space<vmem>>
      %dma_wait3A_199 = arith.constant 0 : i32
      %dma_wait3A_200 = arith.constant 0 : i32
      %dma_wait3A_201 = tpu.memref_slice %arg8[%dma_wait3A_199, %dma_wait3A_200] : memref<10000x16xf32, #tpu.memory_space<vmem_shared>> -> memref<10000x16xf32, #tpu.memory_space<vmem_shared>>
      tpu.wait_indirect_dma semaphore(%arg9 : memref<!tpu.dma_semaphore, #tpu.memory_space<semaphore_mem>>) src(%dma_wait3A_195 : memref<128x16xf32, #tpu.memory_space<vmem>>) dst(%dma_wait3A_201 : memref<10000x16xf32, #tpu.memory_space<vmem_shared>>)
      %dma_wait3A_202 = arith.constant 2 : i32
      %dma_wait3A_203 = arith.constant 256 : i32
      %dma_wait3A_204 = arith.constant 0 : i32
      %dma_wait3A_205 = tpu.memref_slice %arg6[%dma_wait3A_203, %dma_wait3A_204] : memref<2048x16xf32, #tpu.memory_space<vmem>> -> memref<128x16xf32, #tpu.memory_space<vmem>>
      %dma_wait3A_206 = arith.constant 0 : i32
      %dma_wait3A_207 = tpu.memref_slice %arg7[%dma_wait3A_202, %dma_wait3A_206] : memref<16x128xi32, #tpu.memory_space<vmem>> -> memref<1x128xi32, #tpu.memory_space<vmem>>
      %dma_wait3A_208 = tpu.memref_squeeze %dma_wait3A_207 : memref<1x128xi32, #tpu.memory_space<vmem>> -> memref<128xi32, #tpu.memory_space<vmem>>
      %dma_wait3A_209 = arith.constant 0 : i32
      %dma_wait3A_210 = arith.constant 0 : i32
      %dma_wait3A_211 = tpu.memref_slice %arg8[%dma_wait3A_209, %dma_wait3A_210] : memref<10000x16xf32, #tpu.memory_space<vmem_shared>> -> memref<10000x16xf32, #tpu.memory_space<vmem_shared>>
      tpu.wait_indirect_dma semaphore(%arg9 : memref<!tpu.dma_semaphore, #tpu.memory_space<semaphore_mem>>) src(%dma_wait3A_205 : memref<128x16xf32, #tpu.memory_space<vmem>>) dst(%dma_wait3A_211 : memref<10000x16xf32, #tpu.memory_space<vmem_shared>>)
      %dma_wait3A_212 = arith.constant 3 : i32
      %dma_wait3A_213 = arith.constant 384 : i32
      %dma_wait3A_214 = arith.constant 0 : i32
      %dma_wait3A_215 = tpu.memref_slice %arg6[%dma_wait3A_213, %dma_wait3A_214] : memref<2048x16xf32, #tpu.memory_space<vmem>> -> memref<128x16xf32, #tpu.memory_space<vmem>>
      %dma_wait3A_216 = arith.constant 0 : i32
      %dma_wait3A_217 = tpu.memref_slice %arg7[%dma_wait3A_212, %dma_wait3A_216] : memref<16x128xi32, #tpu.memory_space<vmem>> -> memref<1x128xi32, #tpu.memory_space<vmem>>
      %dma_wait3A_218 = tpu.memref_squeeze %dma_wait3A_217 : memref<1x128xi32, #tpu.memory_space<vmem>> -> memref<128xi32, #tpu.memory_space<vmem>>
      %dma_wait3A_219 = arith.constant 0 : i32
      %dma_wait3A_220 = arith.constant 0 : i32
      %dma_wait3A_221 = tpu.memref_slice %arg8[%dma_wait3A_219, %dma_wait3A_220] : memref<10000x16xf32, #tpu.memory_space<vmem_shared>> -> memref<10000x16xf32, #tpu.memory_space<vmem_shared>>
      tpu.wait_indirect_dma semaphore(%arg9 : memref<!tpu.dma_semaphore, #tpu.memory_space<semaphore_mem>>) src(%dma_wait3A_215 : memref<128x16xf32, #tpu.memory_space<vmem>>) dst(%dma_wait3A_221 : memref<10000x16xf32, #tpu.memory_space<vmem_shared>>)
      %dma_wait3A_222 = arith.constant 4 : i32
      %dma_wait3A_223 = arith.constant 512 : i32
      %dma_wait3A_224 = arith.constant 0 : i32
      %dma_wait3A_225 = tpu.memref_slice %arg6[%dma_wait3A_223, %dma_wait3A_224] : memref<2048x16xf32, #tpu.memory_space<vmem>> -> memref<128x16xf32, #tpu.memory_space<vmem>>
      %dma_wait3A_226 = arith.constant 0 : i32
      %dma_wait3A_227 = tpu.memref_slice %arg7[%dma_wait3A_222, %dma_wait3A_226] : memref<16x128xi32, #tpu.memory_space<vmem>> -> memref<1x128xi32, #tpu.memory_space<vmem>>
      %dma_wait3A_228 = tpu.memref_squeeze %dma_wait3A_227 : memref<1x128xi32, #tpu.memory_space<vmem>> -> memref<128xi32, #tpu.memory_space<vmem>>
      %dma_wait3A_229 = arith.constant 0 : i32
      %dma_wait3A_230 = arith.constant 0 : i32
      %dma_wait3A_231 = tpu.memref_slice %arg8[%dma_wait3A_229, %dma_wait3A_230] : memref<10000x16xf32, #tpu.memory_space<vmem_shared>> -> memref<10000x16xf32, #tpu.memory_space<vmem_shared>>
      tpu.wait_indirect_dma semaphore(%arg9 : memref<!tpu.dma_semaphore, #tpu.memory_space<semaphore_mem>>) src(%dma_wait3A_225 : memref<128x16xf32, #tpu.memory_space<vmem>>) dst(%dma_wait3A_231 : memref<10000x16xf32, #tpu.memory_space<vmem_shared>>)
      %dma_wait3A_232 = arith.constant 5 : i32
      %dma_wait3A_233 = arith.constant 640 : i32
      %dma_wait3A_234 = arith.constant 0 : i32
      %dma_wait3A_235 = tpu.memref_slice %arg6[%dma_wait3A_233, %dma_wait3A_234] : memref<2048x16xf32, #tpu.memory_space<vmem>> -> memref<128x16xf32, #tpu.memory_space<vmem>>
      %dma_wait3A_236 = arith.constant 0 : i32
      %dma_wait3A_237 = tpu.memref_slice %arg7[%dma_wait3A_232, %dma_wait3A_236] : memref<16x128xi32, #tpu.memory_space<vmem>> -> memref<1x128xi32, #tpu.memory_space<vmem>>
      %dma_wait3A_238 = tpu.memref_squeeze %dma_wait3A_237 : memref<1x128xi32, #tpu.memory_space<vmem>> -> memref<128xi32, #tpu.memory_space<vmem>>
      %dma_wait3A_239 = arith.constant 0 : i32
      %dma_wait3A_240 = arith.constant 0 : i32
      %dma_wait3A_241 = tpu.memref_slice %arg8[%dma_wait3A_239, %dma_wait3A_240] : memref<10000x16xf32, #tpu.memory_space<vmem_shared>> -> memref<10000x16xf32, #tpu.memory_space<vmem_shared>>
      tpu.wait_indirect_dma semaphore(%arg9 : memref<!tpu.dma_semaphore, #tpu.memory_space<semaphore_mem>>) src(%dma_wait3A_235 : memref<128x16xf32, #tpu.memory_space<vmem>>) dst(%dma_wait3A_241 : memref<10000x16xf32, #tpu.memory_space<vmem_shared>>)
      %dma_wait3A_242 = arith.constant 6 : i32
      %dma_wait3A_243 = arith.constant 768 : i32
      %dma_wait3A_244 = arith.constant 0 : i32
      %dma_wait3A_245 = tpu.memref_slice %arg6[%dma_wait3A_243, %dma_wait3A_244] : memref<2048x16xf32, #tpu.memory_space<vmem>> -> memref<128x16xf32, #tpu.memory_space<vmem>>
      %dma_wait3A_246 = arith.constant 0 : i32
      %dma_wait3A_247 = tpu.memref_slice %arg7[%dma_wait3A_242, %dma_wait3A_246] : memref<16x128xi32, #tpu.memory_space<vmem>> -> memref<1x128xi32, #tpu.memory_space<vmem>>
      %dma_wait3A_248 = tpu.memref_squeeze %dma_wait3A_247 : memref<1x128xi32, #tpu.memory_space<vmem>> -> memref<128xi32, #tpu.memory_space<vmem>>
      %dma_wait3A_249 = arith.constant 0 : i32
      %dma_wait3A_250 = arith.constant 0 : i32
      %dma_wait3A_251 = tpu.memref_slice %arg8[%dma_wait3A_249, %dma_wait3A_250] : memref<10000x16xf32, #tpu.memory_space<vmem_shared>> -> memref<10000x16xf32, #tpu.memory_space<vmem_shared>>
      tpu.wait_indirect_dma semaphore(%arg9 : memref<!tpu.dma_semaphore, #tpu.memory_space<semaphore_mem>>) src(%dma_wait3A_245 : memref<128x16xf32, #tpu.memory_space<vmem>>) dst(%dma_wait3A_251 : memref<10000x16xf32, #tpu.memory_space<vmem_shared>>)
      %dma_wait3A_252 = arith.constant 7 : i32
      %dma_wait3A_253 = arith.constant 896 : i32
      %dma_wait3A_254 = arith.constant 0 : i32
      %dma_wait3A_255 = tpu.memref_slice %arg6[%dma_wait3A_253, %dma_wait3A_254] : memref<2048x16xf32, #tpu.memory_space<vmem>> -> memref<128x16xf32, #tpu.memory_space<vmem>>
      %dma_wait3A_256 = arith.constant 0 : i32
      %dma_wait3A_257 = tpu.memref_slice %arg7[%dma_wait3A_252, %dma_wait3A_256] : memref<16x128xi32, #tpu.memory_space<vmem>> -> memref<1x128xi32, #tpu.memory_space<vmem>>
      %dma_wait3A_258 = tpu.memref_squeeze %dma_wait3A_257 : memref<1x128xi32, #tpu.memory_space<vmem>> -> memref<128xi32, #tpu.memory_space<vmem>>
      %dma_wait3A_259 = arith.constant 0 : i32
      %dma_wait3A_260 = arith.constant 0 : i32
      %dma_wait3A_261 = tpu.memref_slice %arg8[%dma_wait3A_259, %dma_wait3A_260] : memref<10000x16xf32, #tpu.memory_space<vmem_shared>> -> memref<10000x16xf32, #tpu.memory_space<vmem_shared>>
      tpu.wait_indirect_dma semaphore(%arg9 : memref<!tpu.dma_semaphore, #tpu.memory_space<semaphore_mem>>) src(%dma_wait3A_255 : memref<128x16xf32, #tpu.memory_space<vmem>>) dst(%dma_wait3A_261 : memref<10000x16xf32, #tpu.memory_space<vmem_shared>>)
      %dma_wait3A_262 = arith.constant 8 : i32
      %dma_wait3A_263 = arith.constant 1024 : i32
      %dma_wait3A_264 = arith.constant 0 : i32
      %dma_wait3A_265 = tpu.memref_slice %arg6[%dma_wait3A_263, %dma_wait3A_264] : memref<2048x16xf32, #tpu.memory_space<vmem>> -> memref<128x16xf32, #tpu.memory_space<vmem>>
      %dma_wait3A_266 = arith.constant 0 : i32
      %dma_wait3A_267 = tpu.memref_slice %arg7[%dma_wait3A_262, %dma_wait3A_266] : memref<16x128xi32, #tpu.memory_space<vmem>> -> memref<1x128xi32, #tpu.memory_space<vmem>>
      %dma_wait3A_268 = tpu.memref_squeeze %dma_wait3A_267 : memref<1x128xi32, #tpu.memory_space<vmem>> -> memref<128xi32, #tpu.memory_space<vmem>>
      %dma_wait3A_269 = arith.constant 0 : i32
      %dma_wait3A_270 = arith.constant 0 : i32
      %dma_wait3A_271 = tpu.memref_slice %arg8[%dma_wait3A_269, %dma_wait3A_270] : memref<10000x16xf32, #tpu.memory_space<vmem_shared>> -> memref<10000x16xf32, #tpu.memory_space<vmem_shared>>
      tpu.wait_indirect_dma semaphore(%arg9 : memref<!tpu.dma_semaphore, #tpu.memory_space<semaphore_mem>>) src(%dma_wait3A_265 : memref<128x16xf32, #tpu.memory_space<vmem>>) dst(%dma_wait3A_271 : memref<10000x16xf32, #tpu.memory_space<vmem_shared>>)
      %dma_wait3A_272 = arith.constant 9 : i32
      %dma_wait3A_273 = arith.constant 1152 : i32
      %dma_wait3A_274 = arith.constant 0 : i32
      %dma_wait3A_275 = tpu.memref_slice %arg6[%dma_wait3A_273, %dma_wait3A_274] : memref<2048x16xf32, #tpu.memory_space<vmem>> -> memref<128x16xf32, #tpu.memory_space<vmem>>
      %dma_wait3A_276 = arith.constant 0 : i32
      %dma_wait3A_277 = tpu.memref_slice %arg7[%dma_wait3A_272, %dma_wait3A_276] : memref<16x128xi32, #tpu.memory_space<vmem>> -> memref<1x128xi32, #tpu.memory_space<vmem>>
      %dma_wait3A_278 = tpu.memref_squeeze %dma_wait3A_277 : memref<1x128xi32, #tpu.memory_space<vmem>> -> memref<128xi32, #tpu.memory_space<vmem>>
      %dma_wait3A_279 = arith.constant 0 : i32
      %dma_wait3A_280 = arith.constant 0 : i32
      %dma_wait3A_281 = tpu.memref_slice %arg8[%dma_wait3A_279, %dma_wait3A_280] : memref<10000x16xf32, #tpu.memory_space<vmem_shared>> -> memref<10000x16xf32, #tpu.memory_space<vmem_shared>>
      tpu.wait_indirect_dma semaphore(%arg9 : memref<!tpu.dma_semaphore, #tpu.memory_space<semaphore_mem>>) src(%dma_wait3A_275 : memref<128x16xf32, #tpu.memory_space<vmem>>) dst(%dma_wait3A_281 : memref<10000x16xf32, #tpu.memory_space<vmem_shared>>)
      %dma_wait3A_282 = arith.constant 10 : i32
      %dma_wait3A_283 = arith.constant 1280 : i32
      %dma_wait3A_284 = arith.constant 0 : i32
      %dma_wait3A_285 = tpu.memref_slice %arg6[%dma_wait3A_283, %dma_wait3A_284] : memref<2048x16xf32, #tpu.memory_space<vmem>> -> memref<128x16xf32, #tpu.memory_space<vmem>>
      %dma_wait3A_286 = arith.constant 0 : i32
      %dma_wait3A_287 = tpu.memref_slice %arg7[%dma_wait3A_282, %dma_wait3A_286] : memref<16x128xi32, #tpu.memory_space<vmem>> -> memref<1x128xi32, #tpu.memory_space<vmem>>
      %dma_wait3A_288 = tpu.memref_squeeze %dma_wait3A_287 : memref<1x128xi32, #tpu.memory_space<vmem>> -> memref<128xi32, #tpu.memory_space<vmem>>
      %dma_wait3A_289 = arith.constant 0 : i32
      %dma_wait3A_290 = arith.constant 0 : i32
      %dma_wait3A_291 = tpu.memref_slice %arg8[%dma_wait3A_289, %dma_wait3A_290] : memref<10000x16xf32, #tpu.memory_space<vmem_shared>> -> memref<10000x16xf32, #tpu.memory_space<vmem_shared>>
      tpu.wait_indirect_dma semaphore(%arg9 : memref<!tpu.dma_semaphore, #tpu.memory_space<semaphore_mem>>) src(%dma_wait3A_285 : memref<128x16xf32, #tpu.memory_space<vmem>>) dst(%dma_wait3A_291 : memref<10000x16xf32, #tpu.memory_space<vmem_shared>>)
      %dma_wait3A_292 = arith.constant 11 : i32
      %dma_wait3A_293 = arith.constant 1408 : i32
      %dma_wait3A_294 = arith.constant 0 : i32
      %dma_wait3A_295 = tpu.memref_slice %arg6[%dma_wait3A_293, %dma_wait3A_294] : memref<2048x16xf32, #tpu.memory_space<vmem>> -> memref<128x16xf32, #tpu.memory_space<vmem>>
      %dma_wait3A_296 = arith.constant 0 : i32
      %dma_wait3A_297 = tpu.memref_slice %arg7[%dma_wait3A_292, %dma_wait3A_296] : memref<16x128xi32, #tpu.memory_space<vmem>> -> memref<1x128xi32, #tpu.memory_space<vmem>>
      %dma_wait3A_298 = tpu.memref_squeeze %dma_wait3A_297 : memref<1x128xi32, #tpu.memory_space<vmem>> -> memref<128xi32, #tpu.memory_space<vmem>>
      %dma_wait3A_299 = arith.constant 0 : i32
      %dma_wait3A_300 = arith.constant 0 : i32
      %dma_wait3A_301 = tpu.memref_slice %arg8[%dma_wait3A_299, %dma_wait3A_300] : memref<10000x16xf32, #tpu.memory_space<vmem_shared>> -> memref<10000x16xf32, #tpu.memory_space<vmem_shared>>
      tpu.wait_indirect_dma semaphore(%arg9 : memref<!tpu.dma_semaphore, #tpu.memory_space<semaphore_mem>>) src(%dma_wait3A_295 : memref<128x16xf32, #tpu.memory_space<vmem>>) dst(%dma_wait3A_301 : memref<10000x16xf32, #tpu.memory_space<vmem_shared>>)
      %dma_wait3A_302 = arith.constant 12 : i32
      %dma_wait3A_303 = arith.constant 1536 : i32
      %dma_wait3A_304 = arith.constant 0 : i32
      %dma_wait3A_305 = tpu.memref_slice %arg6[%dma_wait3A_303, %dma_wait3A_304] : memref<2048x16xf32, #tpu.memory_space<vmem>> -> memref<128x16xf32, #tpu.memory_space<vmem>>
      %dma_wait3A_306 = arith.constant 0 : i32
      %dma_wait3A_307 = tpu.memref_slice %arg7[%dma_wait3A_302, %dma_wait3A_306] : memref<16x128xi32, #tpu.memory_space<vmem>> -> memref<1x128xi32, #tpu.memory_space<vmem>>
      %dma_wait3A_308 = tpu.memref_squeeze %dma_wait3A_307 : memref<1x128xi32, #tpu.memory_space<vmem>> -> memref<128xi32, #tpu.memory_space<vmem>>
      %dma_wait3A_309 = arith.constant 0 : i32
      %dma_wait3A_310 = arith.constant 0 : i32
      %dma_wait3A_311 = tpu.memref_slice %arg8[%dma_wait3A_309, %dma_wait3A_310] : memref<10000x16xf32, #tpu.memory_space<vmem_shared>> -> memref<10000x16xf32, #tpu.memory_space<vmem_shared>>
      tpu.wait_indirect_dma semaphore(%arg9 : memref<!tpu.dma_semaphore, #tpu.memory_space<semaphore_mem>>) src(%dma_wait3A_305 : memref<128x16xf32, #tpu.memory_space<vmem>>) dst(%dma_wait3A_311 : memref<10000x16xf32, #tpu.memory_space<vmem_shared>>)
      %dma_wait3A_312 = arith.constant 13 : i32
      %dma_wait3A_313 = arith.constant 1664 : i32
      %dma_wait3A_314 = arith.constant 0 : i32
      %dma_wait3A_315 = tpu.memref_slice %arg6[%dma_wait3A_313, %dma_wait3A_314] : memref<2048x16xf32, #tpu.memory_space<vmem>> -> memref<128x16xf32, #tpu.memory_space<vmem>>
      %dma_wait3A_316 = arith.constant 0 : i32
      %dma_wait3A_317 = tpu.memref_slice %arg7[%dma_wait3A_312, %dma_wait3A_316] : memref<16x128xi32, #tpu.memory_space<vmem>> -> memref<1x128xi32, #tpu.memory_space<vmem>>
      %dma_wait3A_318 = tpu.memref_squeeze %dma_wait3A_317 : memref<1x128xi32, #tpu.memory_space<vmem>> -> memref<128xi32, #tpu.memory_space<vmem>>
      %dma_wait3A_319 = arith.constant 0 : i32
      %dma_wait3A_320 = arith.constant 0 : i32
      %dma_wait3A_321 = tpu.memref_slice %arg8[%dma_wait3A_319, %dma_wait3A_320] : memref<10000x16xf32, #tpu.memory_space<vmem_shared>> -> memref<10000x16xf32, #tpu.memory_space<vmem_shared>>
      tpu.wait_indirect_dma semaphore(%arg9 : memref<!tpu.dma_semaphore, #tpu.memory_space<semaphore_mem>>) src(%dma_wait3A_315 : memref<128x16xf32, #tpu.memory_space<vmem>>) dst(%dma_wait3A_321 : memref<10000x16xf32, #tpu.memory_space<vmem_shared>>)
      %dma_wait3A_322 = arith.constant 14 : i32
      %dma_wait3A_323 = arith.constant 1792 : i32
      %dma_wait3A_324 = arith.constant 0 : i32
      %dma_wait3A_325 = tpu.memref_slice %arg6[%dma_wait3A_323, %dma_wait3A_324] : memref<2048x16xf32, #tpu.memory_space<vmem>> -> memref<128x16xf32, #tpu.memory_space<vmem>>
      %dma_wait3A_326 = arith.constant 0 : i32
      %dma_wait3A_327 = tpu.memref_slice %arg7[%dma_wait3A_322, %dma_wait3A_326] : memref<16x128xi32, #tpu.memory_space<vmem>> -> memref<1x128xi32, #tpu.memory_space<vmem>>
      %dma_wait3A_328 = tpu.memref_squeeze %dma_wait3A_327 : memref<1x128xi32, #tpu.memory_space<vmem>> -> memref<128xi32, #tpu.memory_space<vmem>>
      %dma_wait3A_329 = arith.constant 0 : i32
      %dma_wait3A_330 = arith.constant 0 : i32
      %dma_wait3A_331 = tpu.memref_slice %arg8[%dma_wait3A_329, %dma_wait3A_330] : memref<10000x16xf32, #tpu.memory_space<vmem_shared>> -> memref<10000x16xf32, #tpu.memory_space<vmem_shared>>
      tpu.wait_indirect_dma semaphore(%arg9 : memref<!tpu.dma_semaphore, #tpu.memory_space<semaphore_mem>>) src(%dma_wait3A_325 : memref<128x16xf32, #tpu.memory_space<vmem>>) dst(%dma_wait3A_331 : memref<10000x16xf32, #tpu.memory_space<vmem_shared>>)
      %dma_wait3A_332 = arith.constant 15 : i32
      %dma_wait3A_333 = arith.constant 1920 : i32
      %dma_wait3A_334 = arith.constant 0 : i32
      %dma_wait3A_335 = tpu.memref_slice %arg6[%dma_wait3A_333, %dma_wait3A_334] : memref<2048x16xf32, #tpu.memory_space<vmem>> -> memref<128x16xf32, #tpu.memory_space<vmem>>
      %dma_wait3A_336 = arith.constant 0 : i32
      %dma_wait3A_337 = tpu.memref_slice %arg7[%dma_wait3A_332, %dma_wait3A_336] : memref<16x128xi32, #tpu.memory_space<vmem>> -> memref<1x128xi32, #tpu.memory_space<vmem>>
      %dma_wait3A_338 = tpu.memref_squeeze %dma_wait3A_337 : memref<1x128xi32, #tpu.memory_space<vmem>> -> memref<128xi32, #tpu.memory_space<vmem>>
      %dma_wait3A_339 = arith.constant 0 : i32
      %dma_wait3A_340 = arith.constant 0 : i32
      %dma_wait3A_341 = tpu.memref_slice %arg8[%dma_wait3A_339, %dma_wait3A_340] : memref<10000x16xf32, #tpu.memory_space<vmem_shared>> -> memref<10000x16xf32, #tpu.memory_space<vmem_shared>>
      tpu.wait_indirect_dma semaphore(%arg9 : memref<!tpu.dma_semaphore, #tpu.memory_space<semaphore_mem>>) src(%dma_wait3A_335 : memref<128x16xf32, #tpu.memory_space<vmem>>) dst(%dma_wait3A_341 : memref<10000x16xf32, #tpu.memory_space<vmem_shared>>)
      %scan3A_342 = arith.constant 0 : i32
      scf.yield %scan3A_342 : i32
    }
    %scan3A_10 = arith.constant 5 : i32
    %barrier3A_11 = arith.constant 0 : index
    tpu.barrier barrier_id(%barrier3A_11)
    %eq3A_12 = arith.constant 0 : i32
    %eq3A_13 = arith.cmpi eq, %arg1, %eq3A_12 : i32
    %convert_element_type3A_14 = arith.extui %eq3A_13 : i1 to i32
    %cond3A_15 = arith.constant 0 : i32
    %cond3A_16 = arith.cmpi ne, %convert_element_type3A_14, %cond3A_15 : i32
    scf.if %cond3A_16 {
      "tpu.region"() ({
        %run_scoped3A = tpu.sem_alloc : memref<!tpu.dma_semaphore, #tpu.memory_space<semaphore_mem>>
        %dma_start3A = arith.constant 0 : i32
        %dma_start3A_17 = arith.constant 0 : i32
        %dma_start3A_18 = tpu.memref_slice %arg5[%arg0, %dma_start3A, %dma_start3A_17] : memref<2x10000x16xf32, #tpu.memory_space<hbm>> -> memref<1x10000x16xf32, #tpu.memory_space<hbm>>
        %dma_start3A_19 = tpu.memref_squeeze %dma_start3A_18 : memref<1x10000x16xf32, #tpu.memory_space<hbm>> -> memref<10000x16xf32, #tpu.memory_space<hbm>>
        tpu.enqueue_dma source(%arg8 : memref<10000x16xf32, #tpu.memory_space<vmem_shared>>) target(%dma_start3A_19 : memref<10000x16xf32, #tpu.memory_space<hbm>>) target_semaphore(%run_scoped3A : memref<!tpu.dma_semaphore, #tpu.memory_space<semaphore_mem>>)
        %dma_wait3A = arith.constant 0 : i32
        %dma_wait3A_20 = arith.constant 0 : i32
        %dma_wait3A_21 = tpu.memref_slice %arg5[%arg0, %dma_wait3A, %dma_wait3A_20] : memref<2x10000x16xf32, #tpu.memory_space<hbm>> -> memref<1x10000x16xf32, #tpu.memory_space<hbm>>
        %dma_wait3A_22 = tpu.memref_squeeze %dma_wait3A_21 : memref<1x10000x16xf32, #tpu.memory_space<hbm>> -> memref<10000x16xf32, #tpu.memory_space<hbm>>
        tpu.wait_dma2 semaphore(%run_scoped3A : memref<!tpu.dma_semaphore, #tpu.memory_space<semaphore_mem>>) src(%arg8 : memref<10000x16xf32, #tpu.memory_space<vmem_shared>>) dst(%dma_wait3A_22 : memref<10000x16xf32, #tpu.memory_space<hbm>>)
        tpu.yield
      }) : () -> ()
    } else {
    }
    return
  }
}

#map = affine_map<(d0, d1) -> (0, 0)>
module attributes {stable_mosaic.version = 14 : i64} {
  func.func @_sc_gather_body(%arg0: i32, %arg1: i32, %arg2: memref<10000x128xf32, #tpu.memory_space<hbm>>, %arg3: memref<10000x128xf32, #tpu.memory_space<hbm>>, %arg4: memref<10000x16xf32, #tpu.memory_space<hbm>>, %arg5: memref<10000x16xf32, #tpu.memory_space<hbm>>, %arg6: memref<1288x256xi32, #tpu.memory_space<hbm>>, %arg7: memref<1288x256xi32, #tpu.memory_space<hbm>>, %arg8: memref<327680x128xf32, #tpu.memory_space<hbm>>, %arg9: memref<327680x16xf32, #tpu.memory_space<hbm>>, %arg10: memref<48x256xi32, #tpu.memory_space<vmem>>, %arg11: memref<48x256xi32, #tpu.memory_space<vmem>>, %arg12: memref<256x128xf32, #tpu.memory_space<vmem>>, %arg13: memref<256x16xf32, #tpu.memory_space<vmem>>, %arg14: memref<256x128xf32, #tpu.memory_space<vmem>>, %arg15: memref<256x16xf32, #tpu.memory_space<vmem>>, %arg16: memref<!tpu.dma_semaphore, #tpu.memory_space<semaphore_mem>>, %arg17: memref<!tpu.dma_semaphore, #tpu.memory_space<semaphore_mem>>, %arg18: memref<!tpu.dma_semaphore, #tpu.memory_space<semaphore_mem>>, %arg19: memref<!tpu.dma_semaphore, #tpu.memory_space<semaphore_mem>>) attributes {dimension_semantics = [#tpu.dimension_semantics<core_parallel>, #tpu.dimension_semantics<subcore_parallel>], iteration_bounds = array<i64: 2, 16>, scalar_prefetch = 0 : i64, scratch_operands = 10 : i64, tpu.core_type = #tpu.core_type<sc_vector_subcore>, window_params = [{transform_indices = #map}, {transform_indices = #map}, {transform_indices = #map}, {transform_indices = #map}, {transform_indices = #map}, {transform_indices = #map}, {transform_indices = #map}, {transform_indices = #map}]} {
    %mul3A = arith.constant 16 : i32
    %mul3A_0 = arith.muli %arg0, %mul3A : i32
    %add3A = arith.addi %mul3A_0, %arg1 : i32
    %mul3A_1 = arith.constant 40 : i32
    %mul3A_2 = arith.muli %add3A, %mul3A_1 : i32
    "tpu.region"() ({
      %run_scoped3A = tpu.sem_alloc : memref<!tpu.dma_semaphore, #tpu.memory_space<semaphore_mem>>
      %dma_start3A_45 = arith.constant 0 : i32
      %dma_start3A_46 = tpu.memref_slice %arg6[%mul3A_2, %dma_start3A_45] : memref<1288x256xi32, #tpu.memory_space<hbm>> -> memref<48x256xi32, #tpu.memory_space<hbm>>
      %dma_start3A_47 = arith.constant 0 : i32
      %dma_start3A_48 = tpu.memref_slice %arg6[%mul3A_2, %dma_start3A_47] : memref<1288x256xi32, #tpu.memory_space<hbm>> -> memref<48x256xi32, #tpu.memory_space<hbm>>
      tpu.enqueue_dma source(%dma_start3A_48 : memref<48x256xi32, #tpu.memory_space<hbm>>) target(%arg10 : memref<48x256xi32, #tpu.memory_space<vmem>>) target_semaphore(%run_scoped3A : memref<!tpu.dma_semaphore, #tpu.memory_space<semaphore_mem>>)
      %dma_wait3A_49 = arith.constant 0 : i32
      %dma_wait3A_50 = tpu.memref_slice %arg6[%mul3A_2, %dma_wait3A_49] : memref<1288x256xi32, #tpu.memory_space<hbm>> -> memref<48x256xi32, #tpu.memory_space<hbm>>
      %dma_wait3A_51 = arith.constant 0 : i32
      %dma_wait3A_52 = tpu.memref_slice %arg6[%mul3A_2, %dma_wait3A_51] : memref<1288x256xi32, #tpu.memory_space<hbm>> -> memref<48x256xi32, #tpu.memory_space<hbm>>
      tpu.wait_dma2 semaphore(%run_scoped3A : memref<!tpu.dma_semaphore, #tpu.memory_space<semaphore_mem>>) src(%dma_wait3A_52 : memref<48x256xi32, #tpu.memory_space<hbm>>) dst(%arg10 : memref<48x256xi32, #tpu.memory_space<vmem>>)
      tpu.yield
    }) : () -> ()
    "tpu.region"() ({
      %run_scoped3A = tpu.sem_alloc : memref<!tpu.dma_semaphore, #tpu.memory_space<semaphore_mem>>
      %dma_start3A_45 = arith.constant 0 : i32
      %dma_start3A_46 = tpu.memref_slice %arg7[%mul3A_2, %dma_start3A_45] : memref<1288x256xi32, #tpu.memory_space<hbm>> -> memref<48x256xi32, #tpu.memory_space<hbm>>
      %dma_start3A_47 = arith.constant 0 : i32
      %dma_start3A_48 = tpu.memref_slice %arg7[%mul3A_2, %dma_start3A_47] : memref<1288x256xi32, #tpu.memory_space<hbm>> -> memref<48x256xi32, #tpu.memory_space<hbm>>
      tpu.enqueue_dma source(%dma_start3A_48 : memref<48x256xi32, #tpu.memory_space<hbm>>) target(%arg11 : memref<48x256xi32, #tpu.memory_space<vmem>>) target_semaphore(%run_scoped3A : memref<!tpu.dma_semaphore, #tpu.memory_space<semaphore_mem>>)
      %dma_wait3A_49 = arith.constant 0 : i32
      %dma_wait3A_50 = tpu.memref_slice %arg7[%mul3A_2, %dma_wait3A_49] : memref<1288x256xi32, #tpu.memory_space<hbm>> -> memref<48x256xi32, #tpu.memory_space<hbm>>
      %dma_wait3A_51 = arith.constant 0 : i32
      %dma_wait3A_52 = tpu.memref_slice %arg7[%mul3A_2, %dma_wait3A_51] : memref<1288x256xi32, #tpu.memory_space<hbm>> -> memref<48x256xi32, #tpu.memory_space<hbm>>
      tpu.wait_dma2 semaphore(%run_scoped3A : memref<!tpu.dma_semaphore, #tpu.memory_space<semaphore_mem>>) src(%dma_wait3A_52 : memref<48x256xi32, #tpu.memory_space<hbm>>) dst(%arg11 : memref<48x256xi32, #tpu.memory_space<vmem>>)
      tpu.yield
    }) : () -> ()
    %dma_start3A = arith.constant 0 : i32
    %dma_start3A_3 = arith.constant 0 : i32
    %dma_start3A_4 = tpu.memref_slice %arg10[%dma_start3A, %dma_start3A_3] : memref<48x256xi32, #tpu.memory_space<vmem>> -> memref<1x256xi32, #tpu.memory_space<vmem>>
    %dma_start3A_5 = tpu.memref_squeeze %dma_start3A_4 : memref<1x256xi32, #tpu.memory_space<vmem>> -> memref<256xi32, #tpu.memory_space<vmem>>
    %dma_start3A_6 = arith.constant 0 : i32
    %dma_start3A_7 = arith.constant 0 : i32
    %dma_start3A_8 = tpu.memref_slice %arg2[%dma_start3A_6, %dma_start3A_7] : memref<10000x128xf32, #tpu.memory_space<hbm>> -> memref<10000x128xf32, #tpu.memory_space<hbm>>
    tpu.enqueue_indirect_dma source(%dma_start3A_8 : memref<10000x128xf32, #tpu.memory_space<hbm>>) target(%arg12 : memref<256x128xf32, #tpu.memory_space<vmem>>) offsets(%dma_start3A_5 : memref<256xi32, #tpu.memory_space<vmem>>) semaphore(%arg16 : memref<!tpu.dma_semaphore, #tpu.memory_space<semaphore_mem>>)
    %dma_start3A_9 = arith.constant 0 : i32
    %dma_start3A_10 = arith.constant 0 : i32
    %dma_start3A_11 = tpu.memref_slice %arg10[%dma_start3A_9, %dma_start3A_10] : memref<48x256xi32, #tpu.memory_space<vmem>> -> memref<1x256xi32, #tpu.memory_space<vmem>>
    %dma_start3A_12 = tpu.memref_squeeze %dma_start3A_11 : memref<1x256xi32, #tpu.memory_space<vmem>> -> memref<256xi32, #tpu.memory_space<vmem>>
    %dma_start3A_13 = arith.constant 0 : i32
    %dma_start3A_14 = arith.constant 0 : i32
    %dma_start3A_15 = tpu.memref_slice %arg4[%dma_start3A_13, %dma_start3A_14] : memref<10000x16xf32, #tpu.memory_space<hbm>> -> memref<10000x16xf32, #tpu.memory_space<hbm>>
    tpu.enqueue_indirect_dma source(%dma_start3A_15 : memref<10000x16xf32, #tpu.memory_space<hbm>>) target(%arg13 : memref<256x16xf32, #tpu.memory_space<vmem>>) offsets(%dma_start3A_12 : memref<256xi32, #tpu.memory_space<vmem>>) semaphore(%arg16 : memref<!tpu.dma_semaphore, #tpu.memory_space<semaphore_mem>>)
    %scan3A = arith.constant 0 : i32
    %scan3A_16 = arith.constant 0 : i32
    %scan3A_17 = arith.constant 20 : i32
    %scan3A_18 = arith.addi %scan3A_16, %scan3A_17 : i32
    %scan3A_19 = arith.constant 1 : i32
    %scan3A_20 = scf.for %scan3A_45 = %scan3A_16 to %scan3A_18 step %scan3A_19 iter_args(%scan3A_46 = %scan3A) -> (i32)  : i32 {
      %mul3A_47 = arith.constant 2 : i32
      %mul3A_48 = arith.muli %mul3A_47, %scan3A_45 : i32
      %dma_wait3A_49 = arith.constant 0 : i32
      %dma_wait3A_50 = arith.constant 0 : i32
      %dma_wait3A_51 = tpu.memref_slice %arg2[%dma_wait3A_49, %dma_wait3A_50] : memref<10000x128xf32, #tpu.memory_space<hbm>> -> memref<256x128xf32, #tpu.memory_space<hbm>>
      %dma_wait3A_52 = arith.constant 0 : i32
      %dma_wait3A_53 = arith.constant 0 : i32
      %dma_wait3A_54 = tpu.memref_slice %arg2[%dma_wait3A_52, %dma_wait3A_53] : memref<10000x128xf32, #tpu.memory_space<hbm>> -> memref<256x128xf32, #tpu.memory_space<hbm>>
      tpu.wait_dma2 semaphore(%arg16 : memref<!tpu.dma_semaphore, #tpu.memory_space<semaphore_mem>>) src(%dma_wait3A_54 : memref<256x128xf32, #tpu.memory_space<hbm>>) dst(%arg12 : memref<256x128xf32, #tpu.memory_space<vmem>>)
      %dma_wait3A_55 = arith.constant 0 : i32
      %dma_wait3A_56 = arith.constant 0 : i32
      %dma_wait3A_57 = tpu.memref_slice %arg4[%dma_wait3A_55, %dma_wait3A_56] : memref<10000x16xf32, #tpu.memory_space<hbm>> -> memref<256x16xf32, #tpu.memory_space<hbm>>
      %dma_wait3A_58 = arith.constant 0 : i32
      %dma_wait3A_59 = arith.constant 0 : i32
      %dma_wait3A_60 = tpu.memref_slice %arg4[%dma_wait3A_58, %dma_wait3A_59] : memref<10000x16xf32, #tpu.memory_space<hbm>> -> memref<256x16xf32, #tpu.memory_space<hbm>>
      tpu.wait_dma2 semaphore(%arg16 : memref<!tpu.dma_semaphore, #tpu.memory_space<semaphore_mem>>) src(%dma_wait3A_60 : memref<256x16xf32, #tpu.memory_space<hbm>>) dst(%arg13 : memref<256x16xf32, #tpu.memory_space<vmem>>)
      %dma_start3A_61 = arith.constant 0 : i32
      %dma_start3A_62 = tpu.memref_slice %arg11[%mul3A_48, %dma_start3A_61] : memref<48x256xi32, #tpu.memory_space<vmem>> -> memref<1x256xi32, #tpu.memory_space<vmem>>
      %dma_start3A_63 = tpu.memref_squeeze %dma_start3A_62 : memref<1x256xi32, #tpu.memory_space<vmem>> -> memref<256xi32, #tpu.memory_space<vmem>>
      %dma_start3A_64 = arith.constant 0 : i32
      %dma_start3A_65 = arith.constant 0 : i32
      %dma_start3A_66 = tpu.memref_slice %arg3[%dma_start3A_64, %dma_start3A_65] : memref<10000x128xf32, #tpu.memory_space<hbm>> -> memref<10000x128xf32, #tpu.memory_space<hbm>>
      tpu.enqueue_indirect_dma source(%dma_start3A_66 : memref<10000x128xf32, #tpu.memory_space<hbm>>) target(%arg12 : memref<256x128xf32, #tpu.memory_space<vmem>>) offsets(%dma_start3A_63 : memref<256xi32, #tpu.memory_space<vmem>>) semaphore(%arg16 : memref<!tpu.dma_semaphore, #tpu.memory_space<semaphore_mem>>) {add = true}
      %dma_start3A_67 = arith.constant 0 : i32
      %dma_start3A_68 = tpu.memref_slice %arg11[%mul3A_48, %dma_start3A_67] : memref<48x256xi32, #tpu.memory_space<vmem>> -> memref<1x256xi32, #tpu.memory_space<vmem>>
      %dma_start3A_69 = tpu.memref_squeeze %dma_start3A_68 : memref<1x256xi32, #tpu.memory_space<vmem>> -> memref<256xi32, #tpu.memory_space<vmem>>
      %dma_start3A_70 = arith.constant 0 : i32
      %dma_start3A_71 = arith.constant 0 : i32
      %dma_start3A_72 = tpu.memref_slice %arg5[%dma_start3A_70, %dma_start3A_71] : memref<10000x16xf32, #tpu.memory_space<hbm>> -> memref<10000x16xf32, #tpu.memory_space<hbm>>
      tpu.enqueue_indirect_dma source(%dma_start3A_72 : memref<10000x16xf32, #tpu.memory_space<hbm>>) target(%arg13 : memref<256x16xf32, #tpu.memory_space<vmem>>) offsets(%dma_start3A_69 : memref<256xi32, #tpu.memory_space<vmem>>) semaphore(%arg16 : memref<!tpu.dma_semaphore, #tpu.memory_space<semaphore_mem>>) {add = true}
      %gt3A = arith.constant 0 : i32
      %gt3A_73 = arith.cmpi sgt, %scan3A_45, %gt3A : i32
      %convert_element_type3A = arith.extui %gt3A_73 : i1 to i32
      %cond3A = arith.constant 0 : i32
      %cond3A_74 = arith.cmpi ne, %convert_element_type3A, %cond3A : i32
      scf.if %cond3A_74 {
        %dma_wait3A_190 = arith.constant 0 : i32
        %dma_wait3A_191 = arith.constant 0 : i32
        %dma_wait3A_192 = tpu.memref_slice %arg8[%dma_wait3A_190, %dma_wait3A_191] : memref<327680x128xf32, #tpu.memory_space<hbm>> -> memref<256x128xf32, #tpu.memory_space<hbm>>
        %dma_wait3A_193 = arith.constant 0 : i32
        %dma_wait3A_194 = arith.constant 0 : i32
        %dma_wait3A_195 = tpu.memref_slice %arg8[%dma_wait3A_193, %dma_wait3A_194] : memref<327680x128xf32, #tpu.memory_space<hbm>> -> memref<256x128xf32, #tpu.memory_space<hbm>>
        tpu.wait_dma2 semaphore(%arg19 : memref<!tpu.dma_semaphore, #tpu.memory_space<semaphore_mem>>) src(%arg14 : memref<256x128xf32, #tpu.memory_space<vmem>>) dst(%dma_wait3A_195 : memref<256x128xf32, #tpu.memory_space<hbm>>)
        %dma_wait3A_196 = arith.constant 0 : i32
        %dma_wait3A_197 = arith.constant 0 : i32
        %dma_wait3A_198 = tpu.memref_slice %arg9[%dma_wait3A_196, %dma_wait3A_197] : memref<327680x16xf32, #tpu.memory_space<hbm>> -> memref<256x16xf32, #tpu.memory_space<hbm>>
        %dma_wait3A_199 = arith.constant 0 : i32
        %dma_wait3A_200 = arith.constant 0 : i32
        %dma_wait3A_201 = tpu.memref_slice %arg9[%dma_wait3A_199, %dma_wait3A_200] : memref<327680x16xf32, #tpu.memory_space<hbm>> -> memref<256x16xf32, #tpu.memory_space<hbm>>
        tpu.wait_dma2 semaphore(%arg19 : memref<!tpu.dma_semaphore, #tpu.memory_space<semaphore_mem>>) src(%arg15 : memref<256x16xf32, #tpu.memory_space<vmem>>) dst(%dma_wait3A_201 : memref<256x16xf32, #tpu.memory_space<hbm>>)
      } else {
      }
      %add3A_75 = arith.constant 1 : i32
      %add3A_76 = arith.addi %mul3A_48, %add3A_75 : i32
      %dma_start3A_77 = arith.constant 0 : i32
      %dma_start3A_78 = tpu.memref_slice %arg10[%add3A_76, %dma_start3A_77] : memref<48x256xi32, #tpu.memory_space<vmem>> -> memref<1x256xi32, #tpu.memory_space<vmem>>
      %dma_start3A_79 = tpu.memref_squeeze %dma_start3A_78 : memref<1x256xi32, #tpu.memory_space<vmem>> -> memref<256xi32, #tpu.memory_space<vmem>>
      %dma_start3A_80 = arith.constant 0 : i32
      %dma_start3A_81 = arith.constant 0 : i32
      %dma_start3A_82 = tpu.memref_slice %arg2[%dma_start3A_80, %dma_start3A_81] : memref<10000x128xf32, #tpu.memory_space<hbm>> -> memref<10000x128xf32, #tpu.memory_space<hbm>>
      tpu.enqueue_indirect_dma source(%dma_start3A_82 : memref<10000x128xf32, #tpu.memory_space<hbm>>) target(%arg14 : memref<256x128xf32, #tpu.memory_space<vmem>>) offsets(%dma_start3A_79 : memref<256xi32, #tpu.memory_space<vmem>>) semaphore(%arg17 : memref<!tpu.dma_semaphore, #tpu.memory_space<semaphore_mem>>)
      %dma_start3A_83 = arith.constant 0 : i32
      %dma_start3A_84 = tpu.memref_slice %arg10[%add3A_76, %dma_start3A_83] : memref<48x256xi32, #tpu.memory_space<vmem>> -> memref<1x256xi32, #tpu.memory_space<vmem>>
      %dma_start3A_85 = tpu.memref_squeeze %dma_start3A_84 : memref<1x256xi32, #tpu.memory_space<vmem>> -> memref<256xi32, #tpu.memory_space<vmem>>
      %dma_start3A_86 = arith.constant 0 : i32
      %dma_start3A_87 = arith.constant 0 : i32
      %dma_start3A_88 = tpu.memref_slice %arg4[%dma_start3A_86, %dma_start3A_87] : memref<10000x16xf32, #tpu.memory_space<hbm>> -> memref<10000x16xf32, #tpu.memory_space<hbm>>
      tpu.enqueue_indirect_dma source(%dma_start3A_88 : memref<10000x16xf32, #tpu.memory_space<hbm>>) target(%arg15 : memref<256x16xf32, #tpu.memory_space<vmem>>) offsets(%dma_start3A_85 : memref<256xi32, #tpu.memory_space<vmem>>) semaphore(%arg17 : memref<!tpu.dma_semaphore, #tpu.memory_space<semaphore_mem>>)
      %dma_wait3A_89 = arith.constant 0 : i32
      %dma_wait3A_90 = arith.constant 0 : i32
      %dma_wait3A_91 = tpu.memref_slice %arg2[%dma_wait3A_89, %dma_wait3A_90] : memref<10000x128xf32, #tpu.memory_space<hbm>> -> memref<256x128xf32, #tpu.memory_space<hbm>>
      %dma_wait3A_92 = arith.constant 0 : i32
      %dma_wait3A_93 = arith.constant 0 : i32
      %dma_wait3A_94 = tpu.memref_slice %arg2[%dma_wait3A_92, %dma_wait3A_93] : memref<10000x128xf32, #tpu.memory_space<hbm>> -> memref<256x128xf32, #tpu.memory_space<hbm>>
      tpu.wait_dma2 semaphore(%arg16 : memref<!tpu.dma_semaphore, #tpu.memory_space<semaphore_mem>>) src(%dma_wait3A_94 : memref<256x128xf32, #tpu.memory_space<hbm>>) dst(%arg12 : memref<256x128xf32, #tpu.memory_space<vmem>>)
      %dma_wait3A_95 = arith.constant 0 : i32
      %dma_wait3A_96 = arith.constant 0 : i32
      %dma_wait3A_97 = tpu.memref_slice %arg4[%dma_wait3A_95, %dma_wait3A_96] : memref<10000x16xf32, #tpu.memory_space<hbm>> -> memref<256x16xf32, #tpu.memory_space<hbm>>
      %dma_wait3A_98 = arith.constant 0 : i32
      %dma_wait3A_99 = arith.constant 0 : i32
      %dma_wait3A_100 = tpu.memref_slice %arg4[%dma_wait3A_98, %dma_wait3A_99] : memref<10000x16xf32, #tpu.memory_space<hbm>> -> memref<256x16xf32, #tpu.memory_space<hbm>>
      tpu.wait_dma2 semaphore(%arg16 : memref<!tpu.dma_semaphore, #tpu.memory_space<semaphore_mem>>) src(%dma_wait3A_100 : memref<256x16xf32, #tpu.memory_space<hbm>>) dst(%arg13 : memref<256x16xf32, #tpu.memory_space<vmem>>)
      %add3A_101 = arith.addi %mul3A_2, %mul3A_48 : i32
      %mul3A_102 = arith.constant 256 : i32
      %mul3A_103 = arith.muli %add3A_101, %mul3A_102 : i32
      %dma_start3A_104 = arith.constant 0 : i32
      %dma_start3A_105 = tpu.memref_slice %arg8[%mul3A_103, %dma_start3A_104] : memref<327680x128xf32, #tpu.memory_space<hbm>> -> memref<256x128xf32, #tpu.memory_space<hbm>>
      %dma_start3A_106 = arith.constant 0 : i32
      %dma_start3A_107 = tpu.memref_slice %arg8[%mul3A_103, %dma_start3A_106] : memref<327680x128xf32, #tpu.memory_space<hbm>> -> memref<256x128xf32, #tpu.memory_space<hbm>>
      tpu.enqueue_dma source(%arg12 : memref<256x128xf32, #tpu.memory_space<vmem>>) target(%dma_start3A_107 : memref<256x128xf32, #tpu.memory_space<hbm>>) target_semaphore(%arg18 : memref<!tpu.dma_semaphore, #tpu.memory_space<semaphore_mem>>)
      %dma_start3A_108 = arith.constant 0 : i32
      %dma_start3A_109 = tpu.memref_slice %arg9[%mul3A_103, %dma_start3A_108] : memref<327680x16xf32, #tpu.memory_space<hbm>> -> memref<256x16xf32, #tpu.memory_space<hbm>>
      %dma_start3A_110 = arith.constant 0 : i32
      %dma_start3A_111 = tpu.memref_slice %arg9[%mul3A_103, %dma_start3A_110] : memref<327680x16xf32, #tpu.memory_space<hbm>> -> memref<256x16xf32, #tpu.memory_space<hbm>>
      tpu.enqueue_dma source(%arg13 : memref<256x16xf32, #tpu.memory_space<vmem>>) target(%dma_start3A_111 : memref<256x16xf32, #tpu.memory_space<hbm>>) target_semaphore(%arg18 : memref<!tpu.dma_semaphore, #tpu.memory_space<semaphore_mem>>)
      %dma_wait3A_112 = arith.constant 0 : i32
      %dma_wait3A_113 = arith.constant 0 : i32
      %dma_wait3A_114 = tpu.memref_slice %arg2[%dma_wait3A_112, %dma_wait3A_113] : memref<10000x128xf32, #tpu.memory_space<hbm>> -> memref<256x128xf32, #tpu.memory_space<hbm>>
      %dma_wait3A_115 = arith.constant 0 : i32
      %dma_wait3A_116 = arith.constant 0 : i32
      %dma_wait3A_117 = tpu.memref_slice %arg2[%dma_wait3A_115, %dma_wait3A_116] : memref<10000x128xf32, #tpu.memory_space<hbm>> -> memref<256x128xf32, #tpu.memory_space<hbm>>
      tpu.wait_dma2 semaphore(%arg17 : memref<!tpu.dma_semaphore, #tpu.memory_space<semaphore_mem>>) src(%dma_wait3A_117 : memref<256x128xf32, #tpu.memory_space<hbm>>) dst(%arg14 : memref<256x128xf32, #tpu.memory_space<vmem>>)
      %dma_wait3A_118 = arith.constant 0 : i32
      %dma_wait3A_119 = arith.constant 0 : i32
      %dma_wait3A_120 = tpu.memref_slice %arg4[%dma_wait3A_118, %dma_wait3A_119] : memref<10000x16xf32, #tpu.memory_space<hbm>> -> memref<256x16xf32, #tpu.memory_space<hbm>>
      %dma_wait3A_121 = arith.constant 0 : i32
      %dma_wait3A_122 = arith.constant 0 : i32
      %dma_wait3A_123 = tpu.memref_slice %arg4[%dma_wait3A_121, %dma_wait3A_122] : memref<10000x16xf32, #tpu.memory_space<hbm>> -> memref<256x16xf32, #tpu.memory_space<hbm>>
      tpu.wait_dma2 semaphore(%arg17 : memref<!tpu.dma_semaphore, #tpu.memory_space<semaphore_mem>>) src(%dma_wait3A_123 : memref<256x16xf32, #tpu.memory_space<hbm>>) dst(%arg15 : memref<256x16xf32, #tpu.memory_space<vmem>>)
      %add3A_124 = arith.constant 1 : i32
      %add3A_125 = arith.addi %mul3A_48, %add3A_124 : i32
      %dma_start3A_126 = arith.constant 0 : i32
      %dma_start3A_127 = tpu.memref_slice %arg11[%add3A_125, %dma_start3A_126] : memref<48x256xi32, #tpu.memory_space<vmem>> -> memref<1x256xi32, #tpu.memory_space<vmem>>
      %dma_start3A_128 = tpu.memref_squeeze %dma_start3A_127 : memref<1x256xi32, #tpu.memory_space<vmem>> -> memref<256xi32, #tpu.memory_space<vmem>>
      %dma_start3A_129 = arith.constant 0 : i32
      %dma_start3A_130 = arith.constant 0 : i32
      %dma_start3A_131 = tpu.memref_slice %arg3[%dma_start3A_129, %dma_start3A_130] : memref<10000x128xf32, #tpu.memory_space<hbm>> -> memref<10000x128xf32, #tpu.memory_space<hbm>>
      tpu.enqueue_indirect_dma source(%dma_start3A_131 : memref<10000x128xf32, #tpu.memory_space<hbm>>) target(%arg14 : memref<256x128xf32, #tpu.memory_space<vmem>>) offsets(%dma_start3A_128 : memref<256xi32, #tpu.memory_space<vmem>>) semaphore(%arg17 : memref<!tpu.dma_semaphore, #tpu.memory_space<semaphore_mem>>) {add = true}
      %dma_start3A_132 = arith.constant 0 : i32
      %dma_start3A_133 = tpu.memref_slice %arg11[%add3A_125, %dma_start3A_132] : memref<48x256xi32, #tpu.memory_space<vmem>> -> memref<1x256xi32, #tpu.memory_space<vmem>>
      %dma_start3A_134 = tpu.memref_squeeze %dma_start3A_133 : memref<1x256xi32, #tpu.memory_space<vmem>> -> memref<256xi32, #tpu.memory_space<vmem>>
      %dma_start3A_135 = arith.constant 0 : i32
      %dma_start3A_136 = arith.constant 0 : i32
      %dma_start3A_137 = tpu.memref_slice %arg5[%dma_start3A_135, %dma_start3A_136] : memref<10000x16xf32, #tpu.memory_space<hbm>> -> memref<10000x16xf32, #tpu.memory_space<hbm>>
      tpu.enqueue_indirect_dma source(%dma_start3A_137 : memref<10000x16xf32, #tpu.memory_space<hbm>>) target(%arg15 : memref<256x16xf32, #tpu.memory_space<vmem>>) offsets(%dma_start3A_134 : memref<256xi32, #tpu.memory_space<vmem>>) semaphore(%arg17 : memref<!tpu.dma_semaphore, #tpu.memory_space<semaphore_mem>>) {add = true}
      %dma_wait3A_138 = arith.constant 0 : i32
      %dma_wait3A_139 = arith.constant 0 : i32
      %dma_wait3A_140 = tpu.memref_slice %arg8[%dma_wait3A_138, %dma_wait3A_139] : memref<327680x128xf32, #tpu.memory_space<hbm>> -> memref<256x128xf32, #tpu.memory_space<hbm>>
      %dma_wait3A_141 = arith.constant 0 : i32
      %dma_wait3A_142 = arith.constant 0 : i32
      %dma_wait3A_143 = tpu.memref_slice %arg8[%dma_wait3A_141, %dma_wait3A_142] : memref<327680x128xf32, #tpu.memory_space<hbm>> -> memref<256x128xf32, #tpu.memory_space<hbm>>
      tpu.wait_dma2 semaphore(%arg18 : memref<!tpu.dma_semaphore, #tpu.memory_space<semaphore_mem>>) src(%arg12 : memref<256x128xf32, #tpu.memory_space<vmem>>) dst(%dma_wait3A_143 : memref<256x128xf32, #tpu.memory_space<hbm>>)
      %dma_wait3A_144 = arith.constant 0 : i32
      %dma_wait3A_145 = arith.constant 0 : i32
      %dma_wait3A_146 = tpu.memref_slice %arg9[%dma_wait3A_144, %dma_wait3A_145] : memref<327680x16xf32, #tpu.memory_space<hbm>> -> memref<256x16xf32, #tpu.memory_space<hbm>>
      %dma_wait3A_147 = arith.constant 0 : i32
      %dma_wait3A_148 = arith.constant 0 : i32
      %dma_wait3A_149 = tpu.memref_slice %arg9[%dma_wait3A_147, %dma_wait3A_148] : memref<327680x16xf32, #tpu.memory_space<hbm>> -> memref<256x16xf32, #tpu.memory_space<hbm>>
      tpu.wait_dma2 semaphore(%arg18 : memref<!tpu.dma_semaphore, #tpu.memory_space<semaphore_mem>>) src(%arg13 : memref<256x16xf32, #tpu.memory_space<vmem>>) dst(%dma_wait3A_149 : memref<256x16xf32, #tpu.memory_space<hbm>>)
      %add3A_150 = arith.constant 2 : i32
      %add3A_151 = arith.addi %mul3A_48, %add3A_150 : i32
      %dma_start3A_152 = arith.constant 0 : i32
      %dma_start3A_153 = tpu.memref_slice %arg10[%add3A_151, %dma_start3A_152] : memref<48x256xi32, #tpu.memory_space<vmem>> -> memref<1x256xi32, #tpu.memory_space<vmem>>
      %dma_start3A_154 = tpu.memref_squeeze %dma_start3A_153 : memref<1x256xi32, #tpu.memory_space<vmem>> -> memref<256xi32, #tpu.memory_space<vmem>>
      %dma_start3A_155 = arith.constant 0 : i32
      %dma_start3A_156 = arith.constant 0 : i32
      %dma_start3A_157 = tpu.memref_slice %arg2[%dma_start3A_155, %dma_start3A_156] : memref<10000x128xf32, #tpu.memory_space<hbm>> -> memref<10000x128xf32, #tpu.memory_space<hbm>>
      tpu.enqueue_indirect_dma source(%dma_start3A_157 : memref<10000x128xf32, #tpu.memory_space<hbm>>) target(%arg12 : memref<256x128xf32, #tpu.memory_space<vmem>>) offsets(%dma_start3A_154 : memref<256xi32, #tpu.memory_space<vmem>>) semaphore(%arg16 : memref<!tpu.dma_semaphore, #tpu.memory_space<semaphore_mem>>)
      %dma_start3A_158 = arith.constant 0 : i32
      %dma_start3A_159 = tpu.memref_slice %arg10[%add3A_151, %dma_start3A_158] : memref<48x256xi32, #tpu.memory_space<vmem>> -> memref<1x256xi32, #tpu.memory_space<vmem>>
      %dma_start3A_160 = tpu.memref_squeeze %dma_start3A_159 : memref<1x256xi32, #tpu.memory_space<vmem>> -> memref<256xi32, #tpu.memory_space<vmem>>
      %dma_start3A_161 = arith.constant 0 : i32
      %dma_start3A_162 = arith.constant 0 : i32
      %dma_start3A_163 = tpu.memref_slice %arg4[%dma_start3A_161, %dma_start3A_162] : memref<10000x16xf32, #tpu.memory_space<hbm>> -> memref<10000x16xf32, #tpu.memory_space<hbm>>
      tpu.enqueue_indirect_dma source(%dma_start3A_163 : memref<10000x16xf32, #tpu.memory_space<hbm>>) target(%arg13 : memref<256x16xf32, #tpu.memory_space<vmem>>) offsets(%dma_start3A_160 : memref<256xi32, #tpu.memory_space<vmem>>) semaphore(%arg16 : memref<!tpu.dma_semaphore, #tpu.memory_space<semaphore_mem>>)
      %dma_wait3A_164 = arith.constant 0 : i32
      %dma_wait3A_165 = arith.constant 0 : i32
      %dma_wait3A_166 = tpu.memref_slice %arg2[%dma_wait3A_164, %dma_wait3A_165] : memref<10000x128xf32, #tpu.memory_space<hbm>> -> memref<256x128xf32, #tpu.memory_space<hbm>>
      %dma_wait3A_167 = arith.constant 0 : i32
      %dma_wait3A_168 = arith.constant 0 : i32
      %dma_wait3A_169 = tpu.memref_slice %arg2[%dma_wait3A_167, %dma_wait3A_168] : memref<10000x128xf32, #tpu.memory_space<hbm>> -> memref<256x128xf32, #tpu.memory_space<hbm>>
      tpu.wait_dma2 semaphore(%arg17 : memref<!tpu.dma_semaphore, #tpu.memory_space<semaphore_mem>>) src(%dma_wait3A_169 : memref<256x128xf32, #tpu.memory_space<hbm>>) dst(%arg14 : memref<256x128xf32, #tpu.memory_space<vmem>>)
      %dma_wait3A_170 = arith.constant 0 : i32
      %dma_wait3A_171 = arith.constant 0 : i32
      %dma_wait3A_172 = tpu.memref_slice %arg4[%dma_wait3A_170, %dma_wait3A_171] : memref<10000x16xf32, #tpu.memory_space<hbm>> -> memref<256x16xf32, #tpu.memory_space<hbm>>
      %dma_wait3A_173 = arith.constant 0 : i32
      %dma_wait3A_174 = arith.constant 0 : i32
      %dma_wait3A_175 = tpu.memref_slice %arg4[%dma_wait3A_173, %dma_wait3A_174] : memref<10000x16xf32, #tpu.memory_space<hbm>> -> memref<256x16xf32, #tpu.memory_space<hbm>>
      tpu.wait_dma2 semaphore(%arg17 : memref<!tpu.dma_semaphore, #tpu.memory_space<semaphore_mem>>) src(%dma_wait3A_175 : memref<256x16xf32, #tpu.memory_space<hbm>>) dst(%arg15 : memref<256x16xf32, #tpu.memory_space<vmem>>)
      %add3A_176 = arith.constant 1 : i32
      %add3A_177 = arith.addi %mul3A_48, %add3A_176 : i32
      %add3A_178 = arith.addi %mul3A_2, %add3A_177 : i32
      %mul3A_179 = arith.constant 256 : i32
      %mul3A_180 = arith.muli %add3A_178, %mul3A_179 : i32
      %dma_start3A_181 = arith.constant 0 : i32
      %dma_start3A_182 = tpu.memref_slice %arg8[%mul3A_180, %dma_start3A_181] : memref<327680x128xf32, #tpu.memory_space<hbm>> -> memref<256x128xf32, #tpu.memory_space<hbm>>
      %dma_start3A_183 = arith.constant 0 : i32
      %dma_start3A_184 = tpu.memref_slice %arg8[%mul3A_180, %dma_start3A_183] : memref<327680x128xf32, #tpu.memory_space<hbm>> -> memref<256x128xf32, #tpu.memory_space<hbm>>
      tpu.enqueue_dma source(%arg14 : memref<256x128xf32, #tpu.memory_space<vmem>>) target(%dma_start3A_184 : memref<256x128xf32, #tpu.memory_space<hbm>>) target_semaphore(%arg19 : memref<!tpu.dma_semaphore, #tpu.memory_space<semaphore_mem>>)
      %dma_start3A_185 = arith.constant 0 : i32
      %dma_start3A_186 = tpu.memref_slice %arg9[%mul3A_180, %dma_start3A_185] : memref<327680x16xf32, #tpu.memory_space<hbm>> -> memref<256x16xf32, #tpu.memory_space<hbm>>
      %dma_start3A_187 = arith.constant 0 : i32
      %dma_start3A_188 = tpu.memref_slice %arg9[%mul3A_180, %dma_start3A_187] : memref<327680x16xf32, #tpu.memory_space<hbm>> -> memref<256x16xf32, #tpu.memory_space<hbm>>
      tpu.enqueue_dma source(%arg15 : memref<256x16xf32, #tpu.memory_space<vmem>>) target(%dma_start3A_188 : memref<256x16xf32, #tpu.memory_space<hbm>>) target_semaphore(%arg19 : memref<!tpu.dma_semaphore, #tpu.memory_space<semaphore_mem>>)
      %scan3A_189 = arith.constant 0 : i32
      scf.yield %scan3A_189 : i32
    }
    %scan3A_21 = arith.constant 20 : i32
    %dma_wait3A = arith.constant 0 : i32
    %dma_wait3A_22 = arith.constant 0 : i32
    %dma_wait3A_23 = tpu.memref_slice %arg2[%dma_wait3A, %dma_wait3A_22] : memref<10000x128xf32, #tpu.memory_space<hbm>> -> memref<256x128xf32, #tpu.memory_space<hbm>>
    %dma_wait3A_24 = arith.constant 0 : i32
    %dma_wait3A_25 = arith.constant 0 : i32
    %dma_wait3A_26 = tpu.memref_slice %arg2[%dma_wait3A_24, %dma_wait3A_25] : memref<10000x128xf32, #tpu.memory_space<hbm>> -> memref<256x128xf32, #tpu.memory_space<hbm>>
    tpu.wait_dma2 semaphore(%arg16 : memref<!tpu.dma_semaphore, #tpu.memory_space<semaphore_mem>>) src(%dma_wait3A_26 : memref<256x128xf32, #tpu.memory_space<hbm>>) dst(%arg12 : memref<256x128xf32, #tpu.memory_space<vmem>>)
    %dma_wait3A_27 = arith.constant 0 : i32
    %dma_wait3A_28 = arith.constant 0 : i32
    %dma_wait3A_29 = tpu.memref_slice %arg4[%dma_wait3A_27, %dma_wait3A_28] : memref<10000x16xf32, #tpu.memory_space<hbm>> -> memref<256x16xf32, #tpu.memory_space<hbm>>
    %dma_wait3A_30 = arith.constant 0 : i32
    %dma_wait3A_31 = arith.constant 0 : i32
    %dma_wait3A_32 = tpu.memref_slice %arg4[%dma_wait3A_30, %dma_wait3A_31] : memref<10000x16xf32, #tpu.memory_space<hbm>> -> memref<256x16xf32, #tpu.memory_space<hbm>>
    tpu.wait_dma2 semaphore(%arg16 : memref<!tpu.dma_semaphore, #tpu.memory_space<semaphore_mem>>) src(%dma_wait3A_32 : memref<256x16xf32, #tpu.memory_space<hbm>>) dst(%arg13 : memref<256x16xf32, #tpu.memory_space<vmem>>)
    %dma_wait3A_33 = arith.constant 0 : i32
    %dma_wait3A_34 = arith.constant 0 : i32
    %dma_wait3A_35 = tpu.memref_slice %arg8[%dma_wait3A_33, %dma_wait3A_34] : memref<327680x128xf32, #tpu.memory_space<hbm>> -> memref<256x128xf32, #tpu.memory_space<hbm>>
    %dma_wait3A_36 = arith.constant 0 : i32
    %dma_wait3A_37 = arith.constant 0 : i32
    %dma_wait3A_38 = tpu.memref_slice %arg8[%dma_wait3A_36, %dma_wait3A_37] : memref<327680x128xf32, #tpu.memory_space<hbm>> -> memref<256x128xf32, #tpu.memory_space<hbm>>
    tpu.wait_dma2 semaphore(%arg19 : memref<!tpu.dma_semaphore, #tpu.memory_space<semaphore_mem>>) src(%arg14 : memref<256x128xf32, #tpu.memory_space<vmem>>) dst(%dma_wait3A_38 : memref<256x128xf32, #tpu.memory_space<hbm>>)
    %dma_wait3A_39 = arith.constant 0 : i32
    %dma_wait3A_40 = arith.constant 0 : i32
    %dma_wait3A_41 = tpu.memref_slice %arg9[%dma_wait3A_39, %dma_wait3A_40] : memref<327680x16xf32, #tpu.memory_space<hbm>> -> memref<256x16xf32, #tpu.memory_space<hbm>>
    %dma_wait3A_42 = arith.constant 0 : i32
    %dma_wait3A_43 = arith.constant 0 : i32
    %dma_wait3A_44 = tpu.memref_slice %arg9[%dma_wait3A_42, %dma_wait3A_43] : memref<327680x16xf32, #tpu.memory_space<hbm>> -> memref<256x16xf32, #tpu.memory_space<hbm>>
    tpu.wait_dma2 semaphore(%arg19 : memref<!tpu.dma_semaphore, #tpu.memory_space<semaphore_mem>>) src(%arg15 : memref<256x16xf32, #tpu.memory_space<vmem>>) dst(%dma_wait3A_44 : memref<256x16xf32, #tpu.memory_space<hbm>>)
    return
  }
}

module attributes {stable_mosaic.version = 14 : i64} {
  func.func @_stage1a_body(%arg0: i32, %arg1: memref<2000x128xf32, #tpu.memory_space<vmem>>, %arg2: memref<2000x4xf32, #tpu.memory_space<vmem>>, %arg3: memref<2000x1xi32, #tpu.memory_space<vmem>>, %arg4: memref<128x128xf32, #tpu.memory_space<vmem>>, %arg5: memref<128x128xf32, #tpu.memory_space<vmem>>, %arg6: memref<128x128xf32, #tpu.memory_space<vmem>>, %arg7: memref<1x128xf32, #tpu.memory_space<vmem>>, %arg8: memref<128x8xf32, #tpu.memory_space<vmem>>, %arg9: memref<1x8xf32, #tpu.memory_space<vmem>>, %arg10: memref<2000x128xf32, #tpu.memory_space<vmem>>, %arg11: memref<2000x128xf32, #tpu.memory_space<vmem>>, %arg12: memref<2000x8xf32, #tpu.memory_space<vmem>>, %arg13: memref<64x4xf32, #tpu.memory_space<vmem>>) attributes {dimension_semantics = [#tpu.dimension_semantics<arbitrary>], iteration_bounds = array<i64: 5>, scalar_prefetch = 0 : i64, scratch_operands = 0 : i64, tpu.core_type = #tpu.core_type<tc>, window_params = [{transform_indices = @transform_0, window_bounds = array<i64: 2000, 128>}, {transform_indices = @transform_1, window_bounds = array<i64: 2000, 4>}, {transform_indices = @transform_2, window_bounds = array<i64: 2000, 1>}, {pipeline_mode = #tpu.pipeline_mode<synchronous>, transform_indices = @transform_3, window_bounds = array<i64: 128, 128>}, {pipeline_mode = #tpu.pipeline_mode<synchronous>, transform_indices = @transform_4, window_bounds = array<i64: 128, 128>}, {pipeline_mode = #tpu.pipeline_mode<synchronous>, transform_indices = @transform_5, window_bounds = array<i64: 128, 128>}, {pipeline_mode = #tpu.pipeline_mode<synchronous>, transform_indices = @transform_6, window_bounds = array<i64: 1, 128>}, {pipeline_mode = #tpu.pipeline_mode<synchronous>, transform_indices = @transform_7, window_bounds = array<i64: 128, 8>}, {pipeline_mode = #tpu.pipeline_mode<synchronous>, transform_indices = @transform_8, window_bounds = array<i64: 1, 8>}, {transform_indices = @transform_9, window_bounds = array<i64: 2000, 128>}, {transform_indices = @transform_10, window_bounds = array<i64: 2000, 128>}, {transform_indices = @transform_11, window_bounds = array<i64: 2000, 8>}, {pipeline_mode = #tpu.pipeline_mode<synchronous>, transform_indices = @transform_12, window_bounds = array<i64: 64, 4>}]} {
    %get3A = arith.constant 0 : index
    %get3A_0 = arith.constant 0 : index
    %get3A_1 = vector.load %arg1[%get3A, %get3A_0] : memref<2000x128xf32, #tpu.memory_space<vmem>>, vector<2000x128xf32>
    %get3A_2 = arith.constant 0 : index
    %get3A_3 = arith.constant 0 : index
    %get3A_4 = vector.load %arg4[%get3A_2, %get3A_3] : memref<128x128xf32, #tpu.memory_space<vmem>>, vector<128x128xf32>
    %dot_general3A = arith.constant dense<0.000000e+00> : vector<2000x128xf32>
    %dot_general3A_5 = tpu.matmul %get3A_1, %get3A_4, %dot_general3A {dimension_numbers = #tpu.dot_dimension_numbers<[1], [0], [0], [1], [0, 0, 1, 1], [], []>, transpose_lhs_hint = false} : vector<2000x128xf32>, vector<128x128xf32>, vector<2000x128xf32> -> vector<2000x128xf32>
    %swap3A = arith.constant 0 : index
    %swap3A_6 = arith.constant 0 : index
    %swap3A_7 = vector.load %arg10[%swap3A, %swap3A_6] : memref<2000x128xf32, #tpu.memory_space<vmem>>, vector<2000x128xf32>
    tpu.vector_store %arg10[%swap3A, %swap3A_6], %dot_general3A_5 {strides = array<i32>} : memref<2000x128xf32, #tpu.memory_space<vmem>>, vector<2000x128xf32>,
    %get3A_8 = arith.constant 0 : index
    %get3A_9 = arith.constant 0 : index
    %get3A_10 = vector.load %arg5[%get3A_8, %get3A_9] : memref<128x128xf32, #tpu.memory_space<vmem>>, vector<128x128xf32>
    %dot_general3A_11 = arith.constant dense<0.000000e+00> : vector<2000x128xf32>
    %dot_general3A_12 = tpu.matmul %get3A_1, %get3A_10, %dot_general3A_11 {dimension_numbers = #tpu.dot_dimension_numbers<[1], [0], [0], [1], [0, 0, 1, 1], [], []>, transpose_lhs_hint = false} : vector<2000x128xf32>, vector<128x128xf32>, vector<2000x128xf32> -> vector<2000x128xf32>
    %swap3A_13 = arith.constant 0 : index
    %swap3A_14 = arith.constant 0 : index
    %swap3A_15 = vector.load %arg11[%swap3A_13, %swap3A_14] : memref<2000x128xf32, #tpu.memory_space<vmem>>, vector<2000x128xf32>
    tpu.vector_store %arg11[%swap3A_13, %swap3A_14], %dot_general3A_12 {strides = array<i32>} : memref<2000x128xf32, #tpu.memory_space<vmem>>, vector<2000x128xf32>,
    %get3A_16 = arith.constant 0 : index
    %get3A_17 = arith.constant 0 : index
    %get3A_18 = vector.load %arg6[%get3A_16, %get3A_17] : memref<128x128xf32, #tpu.memory_space<vmem>>, vector<128x128xf32>
    %dot_general3A_19 = arith.constant dense<0.000000e+00> : vector<2000x128xf32>
    %dot_general3A_20 = tpu.matmul %get3A_1, %get3A_18, %dot_general3A_19 {dimension_numbers = #tpu.dot_dimension_numbers<[1], [0], [0], [1], [0, 0, 1, 1], [], []>, transpose_lhs_hint = false} : vector<2000x128xf32>, vector<128x128xf32>, vector<2000x128xf32> -> vector<2000x128xf32>
    %get3A_21 = arith.constant 0 : index
    %get3A_22 = arith.constant 0 : index
    %get3A_23 = vector.load %arg7[%get3A_21, %get3A_22] : memref<1x128xf32, #tpu.memory_space<vmem>>, vector<1x128xf32>
    %add3A = vector.broadcast %get3A_23 : vector<1x128xf32> to vector<2000x128xf32>
    %add3A_24 = arith.addf %dot_general3A_20, %add3A : vector<2000x128xf32>
    %neg3A = arith.constant 0.000000e+00 : f32
    %neg3A_25 = vector.broadcast %neg3A : f32 to vector<2000x128xf32>
    %neg3A_26 = arith.subf %neg3A_25, %add3A_24 : vector<2000x128xf32>
    %exp3A = math.exp %neg3A_26 : vector<2000x128xf32>
    %add3A_27 = arith.constant 1.000000e+00 : f32
    %add3A_28 = vector.broadcast %add3A_27 : f32 to vector<2000x128xf32>
    %add3A_29 = arith.addf %add3A_28, %exp3A : vector<2000x128xf32>
    %div3A = arith.constant 1.000000e+00 : f32
    %div3A_30 = vector.broadcast %div3A : f32 to vector<2000x128xf32>
    %div3A_31 = arith.divf %div3A_30, %add3A_29 : vector<2000x128xf32>
    %mul3A = arith.mulf %add3A_24, %div3A_31 : vector<2000x128xf32>
    %get3A_32 = arith.constant 0 : index
    %get3A_33 = arith.constant 0 : index
    %get3A_34 = vector.load %arg8[%get3A_32, %get3A_33] : memref<128x8xf32, #tpu.memory_space<vmem>>, vector<128x8xf32>
    %dot_general3A_35 = arith.constant dense<0.000000e+00> : vector<2000x8xf32>
    %dot_general3A_36 = tpu.matmul %mul3A, %get3A_34, %dot_general3A_35 {dimension_numbers = #tpu.dot_dimension_numbers<[1], [0], [0], [1], [0, 0, 1, 1], [], []>, transpose_lhs_hint = false} : vector<2000x128xf32>, vector<128x8xf32>, vector<2000x8xf32> -> vector<2000x8xf32>
    %get3A_37 = arith.constant 0 : index
    %get3A_38 = arith.constant 0 : index
    %get3A_39 = vector.load %arg9[%get3A_37, %get3A_38] : memref<1x8xf32, #tpu.memory_space<vmem>>, vector<1x8xf32>
    %add3A_40 = vector.broadcast %get3A_39 : vector<1x8xf32> to vector<2000x8xf32>
    %add3A_41 = arith.addf %dot_general3A_36, %add3A_40 : vector<2000x8xf32>
    %swap3A_42 = arith.constant 0 : index
    %swap3A_43 = arith.constant 0 : index
    %swap3A_44 = vector.load %arg12[%swap3A_42, %swap3A_43] : memref<2000x8xf32, #tpu.memory_space<vmem>>, vector<2000x8xf32>
    tpu.vector_store %arg12[%swap3A_42, %swap3A_43], %add3A_41 {strides = array<i32>} : memref<2000x8xf32, #tpu.memory_space<vmem>>, vector<2000x8xf32>,
    %get3A_45 = arith.constant 0 : index
    %get3A_46 = arith.constant 0 : index
    %get3A_47 = vector.load %arg2[%get3A_45, %get3A_46] : memref<2000x4xf32, #tpu.memory_space<vmem>>, vector<2000x4xf32>
    %get3A_48 = arith.constant 0 : index
    %get3A_49 = arith.constant 0 : index
    %get3A_50 = vector.load %arg3[%get3A_48, %get3A_49] : memref<2000x1xi32, #tpu.memory_space<vmem>>, vector<2000x1xi32>
    %iota3A = tpu.iota {dimensions = array<i32: 1>} : vector<1x64xi32>
    %eq3A = vector.broadcast %get3A_50 : vector<2000x1xi32> to vector<2000x64xi32>
    %eq3A_51 = vector.broadcast %iota3A : vector<1x64xi32> to vector<2000x64xi32>
    %eq3A_52 = arith.cmpi eq, %eq3A, %eq3A_51 : vector<2000x64xi32>
    %convert_element_type3A = arith.extui %eq3A_52 : vector<2000x64xi1> to vector<2000x64xi32>
    %convert_element_type3A_53 = arith.sitofp %convert_element_type3A : vector<2000x64xi32> to vector<2000x64xf32>
    %dot_general3A_54 = arith.constant dense<0.000000e+00> : vector<64x4xf32>
    %dot_general3A_55 = tpu.matmul %convert_element_type3A_53, %get3A_47, %dot_general3A_54 {dimension_numbers = #tpu.dot_dimension_numbers<[0], [0], [1], [1], [0, 1, 1, 1], [], []>, transpose_lhs_hint = false} : vector<2000x64xf32>, vector<2000x4xf32>, vector<64x4xf32> -> vector<64x4xf32>
    %eq3A_56 = arith.constant 0 : i32
    %eq3A_57 = arith.cmpi eq, %arg0, %eq3A_56 : i32
    %convert_element_type3A_58 = arith.extui %eq3A_57 : i1 to i32
    %cond3A = arith.constant 0 : i32
    %cond3A_59 = arith.cmpi ne, %convert_element_type3A_58, %cond3A : i32
    scf.if %cond3A_59 {
      %swap3A_64 = arith.constant 0 : index
      %swap3A_65 = arith.constant 0 : index
      %swap3A_66 = vector.load %arg13[%swap3A_64, %swap3A_65] : memref<64x4xf32, #tpu.memory_space<vmem>>, vector<64x4xf32>
      tpu.vector_store %arg13[%swap3A_64, %swap3A_65], %dot_general3A_55 {strides = array<i32>} : memref<64x4xf32, #tpu.memory_space<vmem>>, vector<64x4xf32>,
    } else {
    }
    %ne3A = arith.constant 0 : i32
    %ne3A_60 = arith.cmpi ne, %arg0, %ne3A : i32
    %convert_element_type3A_61 = arith.extui %ne3A_60 : i1 to i32
    %cond3A_62 = arith.constant 0 : i32
    %cond3A_63 = arith.cmpi ne, %convert_element_type3A_61, %cond3A_62 : i32
    scf.if %cond3A_63 {
      %get3A_64 = arith.constant 0 : index
      %get3A_65 = arith.constant 0 : index
      %get3A_66 = vector.load %arg13[%get3A_64, %get3A_65] : memref<64x4xf32, #tpu.memory_space<vmem>>, vector<64x4xf32>
      %add3A_67 = arith.addf %get3A_66, %dot_general3A_55 : vector<64x4xf32>
      %swap3A_68 = arith.constant 0 : index
      %swap3A_69 = arith.constant 0 : index
      %swap3A_70 = vector.load %arg13[%swap3A_68, %swap3A_69] : memref<64x4xf32, #tpu.memory_space<vmem>>, vector<64x4xf32>
      tpu.vector_store %arg13[%swap3A_68, %swap3A_69], %add3A_67 {strides = array<i32>} : memref<64x4xf32, #tpu.memory_space<vmem>>, vector<64x4xf32>,
    } else {
    }
    return
  }
  func.func @transform_0(%arg0: i32) -> (i32, i32) {
    %c0_i32 = arith.constant 0 : i32
    %c0_i32_0 = arith.constant 0 : i32
    return %arg0, %c0_i32 : i32, i32
  }
  func.func @transform_1(%arg0: i32) -> (i32, i32) {
    %c0_i32 = arith.constant 0 : i32
    %c0_i32_0 = arith.constant 0 : i32
    return %arg0, %c0_i32 : i32, i32
  }
  func.func @transform_2(%arg0: i32) -> (i32, i32) {
    %c0_i32 = arith.constant 0 : i32
    %c0_i32_0 = arith.constant 0 : i32
    return %arg0, %c0_i32 : i32, i32
  }
  func.func @transform_3(%arg0: i32) -> (i32, i32) {
    %c0_i32 = arith.constant 0 : i32
    %c0_i32_0 = arith.constant 0 : i32
    %c0_i32_1 = arith.constant 0 : i32
    return %c0_i32, %c0_i32_0 : i32, i32
  }
  func.func @transform_4(%arg0: i32) -> (i32, i32) {
    %c0_i32 = arith.constant 0 : i32
    %c0_i32_0 = arith.constant 0 : i32
    %c0_i32_1 = arith.constant 0 : i32
    return %c0_i32, %c0_i32_0 : i32, i32
  }
  func.func @transform_5(%arg0: i32) -> (i32, i32) {
    %c0_i32 = arith.constant 0 : i32
    %c0_i32_0 = arith.constant 0 : i32
    %c0_i32_1 = arith.constant 0 : i32
    return %c0_i32, %c0_i32_0 : i32, i32
  }
  func.func @transform_6(%arg0: i32) -> (i32, i32) {
    %c0_i32 = arith.constant 0 : i32
    %c0_i32_0 = arith.constant 0 : i32
    %c0_i32_1 = arith.constant 0 : i32
    return %c0_i32, %c0_i32_0 : i32, i32
  }
  func.func @transform_7(%arg0: i32) -> (i32, i32) {
    %c0_i32 = arith.constant 0 : i32
    %c0_i32_0 = arith.constant 0 : i32
    %c0_i32_1 = arith.constant 0 : i32
    return %c0_i32, %c0_i32_0 : i32, i32
  }
  func.func @transform_8(%arg0: i32) -> (i32, i32) {
    %c0_i32 = arith.constant 0 : i32
    %c0_i32_0 = arith.constant 0 : i32
    %c0_i32_1 = arith.constant 0 : i32
    return %c0_i32, %c0_i32_0 : i32, i32
  }
  func.func @transform_9(%arg0: i32) -> (i32, i32) {
    %c0_i32 = arith.constant 0 : i32
    %c0_i32_0 = arith.constant 0 : i32
    return %arg0, %c0_i32 : i32, i32
  }
  func.func @transform_10(%arg0: i32) -> (i32, i32) {
    %c0_i32 = arith.constant 0 : i32
    %c0_i32_0 = arith.constant 0 : i32
    return %arg0, %c0_i32 : i32, i32
  }
  func.func @transform_11(%arg0: i32) -> (i32, i32) {
    %c0_i32 = arith.constant 0 : i32
    %c0_i32_0 = arith.constant 0 : i32
    return %arg0, %c0_i32 : i32, i32
  }
  func.func @transform_12(%arg0: i32) -> (i32, i32) {
    %c0_i32 = arith.constant 0 : i32
    %c0_i32_0 = arith.constant 0 : i32
    %c0_i32_1 = arith.constant 0 : i32
    return %c0_i32, %c0_i32_0 : i32, i32
  }
}

module attributes {stable_mosaic.version = 14 : i64} {
  func.func @_stage3_body(%arg0: i32, %arg1: memref<4096x128xf32, #tpu.memory_space<vmem>>, %arg2: memref<4096x16xf32, #tpu.memory_space<vmem>>, %arg3: memref<4096x16xf32, #tpu.memory_space<vmem>>, %arg4: memref<16x128xf32, #tpu.memory_space<vmem>>, %arg5: memref<1x128xf32, #tpu.memory_space<vmem>>, %arg6: memref<1x128xf32, #tpu.memory_space<vmem>>, %arg7: memref<128x8xf32, #tpu.memory_space<vmem>>, %arg8: memref<1x8xf32, #tpu.memory_space<vmem>>, %arg9: memref<4096x16xf32, #tpu.memory_space<vmem>>) attributes {dimension_semantics = [#tpu.dimension_semantics<arbitrary>], iteration_bounds = array<i64: 80>, scalar_prefetch = 0 : i64, scratch_operands = 0 : i64, tpu.core_type = #tpu.core_type<tc>, window_params = [{transform_indices = @transform_0, window_bounds = array<i64: 4096, 128>}, {transform_indices = @transform_1, window_bounds = array<i64: 4096, 16>}, {transform_indices = @transform_2, window_bounds = array<i64: 4096, 16>}, {pipeline_mode = #tpu.pipeline_mode<synchronous>, transform_indices = @transform_3, window_bounds = array<i64: 16, 128>}, {pipeline_mode = #tpu.pipeline_mode<synchronous>, transform_indices = @transform_4, window_bounds = array<i64: 1, 128>}, {pipeline_mode = #tpu.pipeline_mode<synchronous>, transform_indices = @transform_5, window_bounds = array<i64: 1, 128>}, {pipeline_mode = #tpu.pipeline_mode<synchronous>, transform_indices = @transform_6, window_bounds = array<i64: 128, 8>}, {pipeline_mode = #tpu.pipeline_mode<synchronous>, transform_indices = @transform_7, window_bounds = array<i64: 1, 8>}, {transform_indices = @transform_8, window_bounds = array<i64: 4096, 16>}]} {
    %get3A = arith.constant 0 : index
    %get3A_0 = arith.constant 0 : index
    %get3A_1 = vector.load %arg1[%get3A, %get3A_0] : memref<4096x128xf32, #tpu.memory_space<vmem>>, vector<4096x128xf32>
    %get3A_2 = arith.constant 0 : index
    %get3A_3 = arith.constant 0 : index
    %get3A_4 = vector.load %arg2[%get3A_2, %get3A_3] : memref<4096x16xf32, #tpu.memory_space<vmem>>, vector<4096x16xf32>
    %get3A_5 = arith.constant 0 : index
    %get3A_6 = arith.constant 0 : index
    %get3A_7 = vector.load %arg3[%get3A_5, %get3A_6] : memref<4096x16xf32, #tpu.memory_space<vmem>>, vector<4096x16xf32>
    %transpose3A = tpu.transpose %get3A_7, [1, 0] : vector<4096x16xf32> -> vector<16x4096xf32>
    %slice3A = vector.extract_strided_slice %transpose3A {offsets = [0, 0], sizes = [1, 4096], strides = [1, 1]} : vector<16x4096xf32> to vector<1x4096xf32>
    %slice3A_8 = vector.extract_strided_slice %transpose3A {offsets = [1, 0], sizes = [1, 4096], strides = [1, 1]} : vector<16x4096xf32> to vector<1x4096xf32>
    %slice3A_9 = vector.extract_strided_slice %transpose3A {offsets = [2, 0], sizes = [1, 4096], strides = [1, 1]} : vector<16x4096xf32> to vector<1x4096xf32>
    %mul3A = arith.mulf %slice3A, %slice3A : vector<1x4096xf32>
    %mul3A_10 = arith.mulf %slice3A_8, %slice3A_8 : vector<1x4096xf32>
    %add3A = arith.addf %mul3A, %mul3A_10 : vector<1x4096xf32>
    %mul3A_11 = arith.mulf %slice3A_9, %slice3A_9 : vector<1x4096xf32>
    %add3A_12 = arith.addf %add3A, %mul3A_11 : vector<1x4096xf32>
    %sqrt3A = math.sqrt %add3A_12 : vector<1x4096xf32>
    %transpose3A_13 = tpu.transpose %sqrt3A, [1, 0] : vector<1x4096xf32> -> vector<4096x1xf32>
    %get3A_14 = arith.constant 0 : index
    %get3A_15 = arith.constant 0 : index
    %get3A_16 = vector.load %arg4[%get3A_14, %get3A_15] : memref<16x128xf32, #tpu.memory_space<vmem>>, vector<16x128xf32>
    %dot_general3A = arith.constant dense<0.000000e+00> : vector<4096x128xf32>
    %dot_general3A_17 = tpu.matmul %get3A_4, %get3A_16, %dot_general3A {dimension_numbers = #tpu.dot_dimension_numbers<[1], [0], [0], [1], [0, 0, 1, 1], [], []>, transpose_lhs_hint = false} : vector<4096x16xf32>, vector<16x128xf32>, vector<4096x128xf32> -> vector<4096x128xf32>
    %add3A_18 = arith.addf %get3A_1, %dot_general3A_17 : vector<4096x128xf32>
    %get3A_19 = arith.constant 0 : index
    %get3A_20 = arith.constant 0 : index
    %get3A_21 = vector.load %arg5[%get3A_19, %get3A_20] : memref<1x128xf32, #tpu.memory_space<vmem>>, vector<1x128xf32>
    %add3A_22 = vector.broadcast %get3A_21 : vector<1x128xf32> to vector<4096x128xf32>
    %add3A_23 = arith.addf %add3A_18, %add3A_22 : vector<4096x128xf32>
    %get3A_24 = arith.constant 0 : index
    %get3A_25 = arith.constant 0 : index
    %get3A_26 = vector.load %arg6[%get3A_24, %get3A_25] : memref<1x128xf32, #tpu.memory_space<vmem>>, vector<1x128xf32>
    %mul3A_27 = vector.broadcast %transpose3A_13 : vector<4096x1xf32> to vector<4096x128xf32>
    %mul3A_28 = vector.broadcast %get3A_26 : vector<1x128xf32> to vector<4096x128xf32>
    %mul3A_29 = arith.mulf %mul3A_27, %mul3A_28 : vector<4096x128xf32>
    %add3A_30 = arith.addf %add3A_23, %mul3A_29 : vector<4096x128xf32>
    %neg3A = arith.constant 0.000000e+00 : f32
    %neg3A_31 = vector.broadcast %neg3A : f32 to vector<4096x128xf32>
    %neg3A_32 = arith.subf %neg3A_31, %add3A_30 : vector<4096x128xf32>
    %exp3A = math.exp %neg3A_32 : vector<4096x128xf32>
    %add3A_33 = arith.constant 1.000000e+00 : f32
    %add3A_34 = vector.broadcast %add3A_33 : f32 to vector<4096x128xf32>
    %add3A_35 = arith.addf %add3A_34, %exp3A : vector<4096x128xf32>
    %div3A = arith.constant 1.000000e+00 : f32
    %div3A_36 = vector.broadcast %div3A : f32 to vector<4096x128xf32>
    %div3A_37 = arith.divf %div3A_36, %add3A_35 : vector<4096x128xf32>
    %mul3A_38 = arith.mulf %add3A_30, %div3A_37 : vector<4096x128xf32>
    %get3A_39 = arith.constant 0 : index
    %get3A_40 = arith.constant 0 : index
    %get3A_41 = vector.load %arg7[%get3A_39, %get3A_40] : memref<128x8xf32, #tpu.memory_space<vmem>>, vector<128x8xf32>
    %dot_general3A_42 = arith.constant dense<0.000000e+00> : vector<4096x8xf32>
    %dot_general3A_43 = tpu.matmul %mul3A_38, %get3A_41, %dot_general3A_42 {dimension_numbers = #tpu.dot_dimension_numbers<[1], [0], [0], [1], [0, 0, 1, 1], [], []>, transpose_lhs_hint = false} : vector<4096x128xf32>, vector<128x8xf32>, vector<4096x8xf32> -> vector<4096x8xf32>
    %get3A_44 = arith.constant 0 : index
    %get3A_45 = arith.constant 0 : index
    %get3A_46 = vector.load %arg8[%get3A_44, %get3A_45] : memref<1x8xf32, #tpu.memory_space<vmem>>, vector<1x8xf32>
    %add3A_47 = vector.broadcast %get3A_46 : vector<1x8xf32> to vector<4096x8xf32>
    %add3A_48 = arith.addf %dot_general3A_43, %add3A_47 : vector<4096x8xf32>
    %transpose3A_49 = tpu.transpose %add3A_48, [1, 0] : vector<4096x8xf32> -> vector<8x4096xf32>
    %max3A = arith.constant 9.99999996E-13 : f32
    %max3A_50 = vector.broadcast %max3A : f32 to vector<1x4096xf32>
    %max3A_51 = arith.maximumf %sqrt3A, %max3A_50 : vector<1x4096xf32>
    %div3A_52 = arith.constant 1.000000e+00 : f32
    %div3A_53 = vector.broadcast %div3A_52 : f32 to vector<1x4096xf32>
    %div3A_54 = arith.divf %div3A_53, %max3A_51 : vector<1x4096xf32>
    %mul3A_55 = arith.mulf %slice3A, %div3A_54 : vector<1x4096xf32>
    %mul3A_56 = arith.mulf %slice3A_8, %div3A_54 : vector<1x4096xf32>
    %mul3A_57 = arith.mulf %slice3A_9, %div3A_54 : vector<1x4096xf32>
    %slice3A_58 = vector.extract_strided_slice %transpose3A_49 {offsets = [0, 0], sizes = [1, 4096], strides = [1, 1]} : vector<8x4096xf32> to vector<1x4096xf32>
    %slice3A_59 = vector.extract_strided_slice %transpose3A_49 {offsets = [1, 0], sizes = [1, 4096], strides = [1, 1]} : vector<8x4096xf32> to vector<1x4096xf32>
    %slice3A_60 = vector.extract_strided_slice %transpose3A_49 {offsets = [2, 0], sizes = [1, 4096], strides = [1, 1]} : vector<8x4096xf32> to vector<1x4096xf32>
    %mul3A_61 = arith.constant 4096 : i32
    %mul3A_62 = arith.muli %arg0, %mul3A_61 : i32
    %iota3A = tpu.iota {dimensions = array<i32: 1>} : vector<1x4096xi32>
    %add3A_63 = vector.broadcast %mul3A_62 : i32 to vector<1x4096xi32>
    %add3A_64 = arith.addi %add3A_63, %iota3A : vector<1x4096xi32>
    %lt3A = arith.constant 320000 : i32
    %lt3A_65 = vector.broadcast %lt3A : i32 to vector<1x4096xi32>
    %lt3A_66 = arith.cmpi slt, %add3A_64, %lt3A_65 : vector<1x4096xi32>
    %convert_element_type3A = arith.extui %lt3A_66 : vector<1x4096xi1> to vector<1x4096xi32>
    %convert_element_type3A_67 = arith.sitofp %convert_element_type3A : vector<1x4096xi32> to vector<1x4096xf32>
    %broadcast_in_dim3A = arith.constant 0.000000e+00 : f32
    %broadcast_in_dim3A_68 = vector.broadcast %broadcast_in_dim3A : f32 to vector<1x4096xf32>
    %mul3A_69 = arith.mulf %convert_element_type3A_67, %slice3A_58 : vector<1x4096xf32>
    %mul3A_70 = arith.mulf %slice3A_59, %mul3A_55 : vector<1x4096xf32>
    %mul3A_71 = arith.mulf %convert_element_type3A_67, %mul3A_70 : vector<1x4096xf32>
    %mul3A_72 = arith.mulf %slice3A_59, %mul3A_56 : vector<1x4096xf32>
    %mul3A_73 = arith.mulf %convert_element_type3A_67, %mul3A_72 : vector<1x4096xf32>
    %mul3A_74 = arith.mulf %slice3A_59, %mul3A_57 : vector<1x4096xf32>
    %mul3A_75 = arith.mulf %convert_element_type3A_67, %mul3A_74 : vector<1x4096xf32>
    %mul3A_76 = arith.constant 1.73205078 : f32
    %mul3A_77 = vector.broadcast %mul3A_76 : f32 to vector<1x4096xf32>
    %mul3A_78 = arith.mulf %mul3A_77, %mul3A_55 : vector<1x4096xf32>
    %mul3A_79 = arith.mulf %mul3A_78, %mul3A_57 : vector<1x4096xf32>
    %mul3A_80 = arith.mulf %slice3A_60, %mul3A_79 : vector<1x4096xf32>
    %mul3A_81 = arith.mulf %convert_element_type3A_67, %mul3A_80 : vector<1x4096xf32>
    %mul3A_82 = arith.constant 1.73205078 : f32
    %mul3A_83 = vector.broadcast %mul3A_82 : f32 to vector<1x4096xf32>
    %mul3A_84 = arith.mulf %mul3A_83, %mul3A_55 : vector<1x4096xf32>
    %mul3A_85 = arith.mulf %mul3A_84, %mul3A_56 : vector<1x4096xf32>
    %mul3A_86 = arith.mulf %slice3A_60, %mul3A_85 : vector<1x4096xf32>
    %mul3A_87 = arith.mulf %convert_element_type3A_67, %mul3A_86 : vector<1x4096xf32>
    %mul3A_88 = arith.mulf %mul3A_56, %mul3A_56 : vector<1x4096xf32>
    %mul3A_89 = arith.mulf %mul3A_55, %mul3A_55 : vector<1x4096xf32>
    %mul3A_90 = arith.mulf %mul3A_57, %mul3A_57 : vector<1x4096xf32>
    %add3A_91 = arith.addf %mul3A_89, %mul3A_90 : vector<1x4096xf32>
    %mul3A_92 = arith.constant 5.000000e-01 : f32
    %mul3A_93 = vector.broadcast %mul3A_92 : f32 to vector<1x4096xf32>
    %mul3A_94 = arith.mulf %mul3A_93, %add3A_91 : vector<1x4096xf32>
    %sub3A = arith.subf %mul3A_88, %mul3A_94 : vector<1x4096xf32>
    %mul3A_95 = arith.mulf %slice3A_60, %sub3A : vector<1x4096xf32>
    %mul3A_96 = arith.mulf %convert_element_type3A_67, %mul3A_95 : vector<1x4096xf32>
    %mul3A_97 = arith.constant 1.73205078 : f32
    %mul3A_98 = vector.broadcast %mul3A_97 : f32 to vector<1x4096xf32>
    %mul3A_99 = arith.mulf %mul3A_98, %mul3A_56 : vector<1x4096xf32>
    %mul3A_100 = arith.mulf %mul3A_99, %mul3A_57 : vector<1x4096xf32>
    %mul3A_101 = arith.mulf %slice3A_60, %mul3A_100 : vector<1x4096xf32>
    %mul3A_102 = arith.mulf %convert_element_type3A_67, %mul3A_101 : vector<1x4096xf32>
    %mul3A_103 = arith.mulf %mul3A_57, %mul3A_57 : vector<1x4096xf32>
    %mul3A_104 = arith.mulf %mul3A_55, %mul3A_55 : vector<1x4096xf32>
    %sub3A_105 = arith.subf %mul3A_103, %mul3A_104 : vector<1x4096xf32>
    %mul3A_106 = arith.constant 0.866025388 : f32
    %mul3A_107 = vector.broadcast %mul3A_106 : f32 to vector<1x4096xf32>
    %mul3A_108 = arith.mulf %mul3A_107, %sub3A_105 : vector<1x4096xf32>
    %mul3A_109 = arith.mulf %slice3A_60, %mul3A_108 : vector<1x4096xf32>
    %mul3A_110 = arith.mulf %convert_element_type3A_67, %mul3A_109 : vector<1x4096xf32>
    %concatenate3A = tpu.concatenate %mul3A_69, %mul3A_71, %mul3A_73, %mul3A_75, %mul3A_81, %mul3A_87, %mul3A_96, %mul3A_102, %mul3A_110, %convert_element_type3A_67, %broadcast_in_dim3A_68, %broadcast_in_dim3A_68, %broadcast_in_dim3A_68, %broadcast_in_dim3A_68, %broadcast_in_dim3A_68, %broadcast_in_dim3A_68 in 0 : vector<1x4096xf32>, vector<1x4096xf32>, vector<1x4096xf32>, vector<1x4096xf32>, vector<1x4096xf32>, vector<1x4096xf32>, vector<1x4096xf32>, vector<1x4096xf32>, vector<1x4096xf32>, vector<1x4096xf32>, vector<1x4096xf32>, vector<1x4096xf32>, vector<1x4096xf32>, vector<1x4096xf32>, vector<1x4096xf32>, vector<1x4096xf32> -> vector<16x4096xf32>
    %transpose3A_111 = tpu.transpose %concatenate3A, [1, 0] : vector<16x4096xf32> -> vector<4096x16xf32>
    %swap3A = arith.constant 0 : index
    %swap3A_112 = arith.constant 0 : index
    %swap3A_113 = vector.load %arg9[%swap3A, %swap3A_112] : memref<4096x16xf32, #tpu.memory_space<vmem>>, vector<4096x16xf32>
    tpu.vector_store %arg9[%swap3A, %swap3A_112], %transpose3A_111 {strides = array<i32>} : memref<4096x16xf32, #tpu.memory_space<vmem>>, vector<4096x16xf32>,
    return
  }
  func.func @transform_0(%arg0: i32) -> (i32, i32) {
    %c0_i32 = arith.constant 0 : i32
    %c0_i32_0 = arith.constant 0 : i32
    return %arg0, %c0_i32 : i32, i32
  }
  func.func @transform_1(%arg0: i32) -> (i32, i32) {
    %c0_i32 = arith.constant 0 : i32
    %c0_i32_0 = arith.constant 0 : i32
    return %arg0, %c0_i32 : i32, i32
  }
  func.func @transform_2(%arg0: i32) -> (i32, i32) {
    %c0_i32 = arith.constant 0 : i32
    %c0_i32_0 = arith.constant 0 : i32
    return %arg0, %c0_i32 : i32, i32
  }
  func.func @transform_3(%arg0: i32) -> (i32, i32) {
    %c0_i32 = arith.constant 0 : i32
    %c0_i32_0 = arith.constant 0 : i32
    %c0_i32_1 = arith.constant 0 : i32
    return %c0_i32, %c0_i32_0 : i32, i32
  }
  func.func @transform_4(%arg0: i32) -> (i32, i32) {
    %c0_i32 = arith.constant 0 : i32
    %c0_i32_0 = arith.constant 0 : i32
    %c0_i32_1 = arith.constant 0 : i32
    return %c0_i32, %c0_i32_0 : i32, i32
  }
  func.func @transform_5(%arg0: i32) -> (i32, i32) {
    %c0_i32 = arith.constant 0 : i32
    %c0_i32_0 = arith.constant 0 : i32
    %c0_i32_1 = arith.constant 0 : i32
    return %c0_i32, %c0_i32_0 : i32, i32
  }
  func.func @transform_6(%arg0: i32) -> (i32, i32) {
    %c0_i32 = arith.constant 0 : i32
    %c0_i32_0 = arith.constant 0 : i32
    %c0_i32_1 = arith.constant 0 : i32
    return %c0_i32, %c0_i32_0 : i32, i32
  }
  func.func @transform_7(%arg0: i32) -> (i32, i32) {
    %c0_i32 = arith.constant 0 : i32
    %c0_i32_0 = arith.constant 0 : i32
    %c0_i32_1 = arith.constant 0 : i32
    return %c0_i32, %c0_i32_0 : i32, i32
  }
  func.func @transform_8(%arg0: i32) -> (i32, i32) {
    %c0_i32 = arith.constant 0 : i32
    %c0_i32_0 = arith.constant 0 : i32
    return %arg0, %c0_i32 : i32, i32
  }
}

module attributes {stable_mosaic.version = 14 : i64} {
  func.func @_stage1b_body(%arg0: i32, %arg1: memref<2000x4xf32, #tpu.memory_space<vmem>>, %arg2: memref<2000x1xi32, #tpu.memory_space<vmem>>, %arg3: memref<2000x8xf32, #tpu.memory_space<vmem>>, %arg4: memref<64x4xf32, #tpu.memory_space<vmem>>, %arg5: memref<2000x16xf32, #tpu.memory_space<vmem>>) attributes {dimension_semantics = [#tpu.dimension_semantics<arbitrary>], iteration_bounds = array<i64: 5>, scalar_prefetch = 0 : i64, scratch_operands = 0 : i64, tpu.core_type = #tpu.core_type<tc>, window_params = [{transform_indices = @transform_0, window_bounds = array<i64: 2000, 4>}, {transform_indices = @transform_1, window_bounds = array<i64: 2000, 1>}, {transform_indices = @transform_2, window_bounds = array<i64: 2000, 8>}, {pipeline_mode = #tpu.pipeline_mode<synchronous>, transform_indices = @transform_3, window_bounds = array<i64: 64, 4>}, {transform_indices = @transform_4, window_bounds = array<i64: 2000, 16>}]} {
    %get3A = arith.constant 0 : index
    %get3A_0 = arith.constant 0 : index
    %get3A_1 = vector.load %arg4[%get3A, %get3A_0] : memref<64x4xf32, #tpu.memory_space<vmem>>, vector<64x4xf32>
    %slice3A = vector.extract_strided_slice %get3A_1 {offsets = [0, 0], sizes = [64, 3], strides = [1, 1]} : vector<64x4xf32> to vector<64x3xf32>
    %slice3A_2 = vector.extract_strided_slice %get3A_1 {offsets = [0, 3], sizes = [64, 1], strides = [1, 1]} : vector<64x4xf32> to vector<64x1xf32>
    %max3A = arith.constant 1.000000e+00 : f32
    %max3A_3 = vector.broadcast %max3A : f32 to vector<64x1xf32>
    %max3A_4 = arith.maximumf %slice3A_2, %max3A_3 : vector<64x1xf32>
    %div3A = vector.broadcast %max3A_4 : vector<64x1xf32> to vector<64x3xf32>
    %div3A_5 = arith.divf %slice3A, %div3A : vector<64x3xf32>
    %get3A_6 = arith.constant 0 : index
    %get3A_7 = arith.constant 0 : index
    %get3A_8 = vector.load %arg1[%get3A_6, %get3A_7] : memref<2000x4xf32, #tpu.memory_space<vmem>>, vector<2000x4xf32>
    %get3A_9 = arith.constant 0 : index
    %get3A_10 = arith.constant 0 : index
    %get3A_11 = vector.load %arg2[%get3A_9, %get3A_10] : memref<2000x1xi32, #tpu.memory_space<vmem>>, vector<2000x1xi32>
    %get3A_12 = arith.constant 0 : index
    %get3A_13 = arith.constant 0 : index
    %get3A_14 = vector.load %arg3[%get3A_12, %get3A_13] : memref<2000x8xf32, #tpu.memory_space<vmem>>, vector<2000x8xf32>
    %iota3A = tpu.iota {dimensions = array<i32: 1>} : vector<1x64xi32>
    %eq3A = vector.broadcast %get3A_11 : vector<2000x1xi32> to vector<2000x64xi32>
    %eq3A_15 = vector.broadcast %iota3A : vector<1x64xi32> to vector<2000x64xi32>
    %eq3A_16 = arith.cmpi eq, %eq3A, %eq3A_15 : vector<2000x64xi32>
    %convert_element_type3A = arith.extui %eq3A_16 : vector<2000x64xi1> to vector<2000x64xi32>
    %convert_element_type3A_17 = arith.sitofp %convert_element_type3A : vector<2000x64xi32> to vector<2000x64xf32>
    %dot_general3A = arith.constant dense<0.000000e+00> : vector<2000x3xf32>
    %dot_general3A_18 = tpu.matmul %convert_element_type3A_17, %div3A_5, %dot_general3A {dimension_numbers = #tpu.dot_dimension_numbers<[1], [0], [0], [1], [0, 0, 1, 1], [], []>, transpose_lhs_hint = false} : vector<2000x64xf32>, vector<64x3xf32>, vector<2000x3xf32> -> vector<2000x3xf32>
    %slice3A_19 = vector.extract_strided_slice %get3A_8 {offsets = [0, 0], sizes = [2000, 3], strides = [1, 1]} : vector<2000x4xf32> to vector<2000x3xf32>
    %sub3A = arith.subf %slice3A_19, %dot_general3A_18 : vector<2000x3xf32>
    %slice3A_20 = vector.extract_strided_slice %sub3A {offsets = [0, 0], sizes = [2000, 1], strides = [1, 1]} : vector<2000x3xf32> to vector<2000x1xf32>
    %slice3A_21 = vector.extract_strided_slice %sub3A {offsets = [0, 1], sizes = [2000, 1], strides = [1, 1]} : vector<2000x3xf32> to vector<2000x1xf32>
    %slice3A_22 = vector.extract_strided_slice %sub3A {offsets = [0, 2], sizes = [2000, 1], strides = [1, 1]} : vector<2000x3xf32> to vector<2000x1xf32>
    %mul3A = arith.mulf %slice3A_20, %slice3A_20 : vector<2000x1xf32>
    %mul3A_23 = arith.mulf %slice3A_21, %slice3A_21 : vector<2000x1xf32>
    %add3A = arith.addf %mul3A, %mul3A_23 : vector<2000x1xf32>
    %mul3A_24 = arith.mulf %slice3A_22, %slice3A_22 : vector<2000x1xf32>
    %add3A_25 = arith.addf %add3A, %mul3A_24 : vector<2000x1xf32>
    %sqrt3A = math.sqrt %add3A_25 : vector<2000x1xf32>
    %max3A_26 = arith.constant 9.99999996E-13 : f32
    %max3A_27 = vector.broadcast %max3A_26 : f32 to vector<2000x1xf32>
    %max3A_28 = arith.maximumf %sqrt3A, %max3A_27 : vector<2000x1xf32>
    %div3A_29 = arith.constant 1.000000e+00 : f32
    %div3A_30 = vector.broadcast %div3A_29 : f32 to vector<2000x1xf32>
    %div3A_31 = arith.divf %div3A_30, %max3A_28 : vector<2000x1xf32>
    %mul3A_32 = arith.mulf %slice3A_20, %div3A_31 : vector<2000x1xf32>
    %mul3A_33 = arith.mulf %slice3A_21, %div3A_31 : vector<2000x1xf32>
    %mul3A_34 = arith.mulf %slice3A_22, %div3A_31 : vector<2000x1xf32>
    %slice3A_35 = vector.extract_strided_slice %get3A_14 {offsets = [0, 0], sizes = [2000, 1], strides = [1, 1]} : vector<2000x8xf32> to vector<2000x1xf32>
    %slice3A_36 = vector.extract_strided_slice %get3A_14 {offsets = [0, 1], sizes = [2000, 1], strides = [1, 1]} : vector<2000x8xf32> to vector<2000x1xf32>
    %slice3A_37 = vector.extract_strided_slice %get3A_14 {offsets = [0, 2], sizes = [2000, 1], strides = [1, 1]} : vector<2000x8xf32> to vector<2000x1xf32>
    %broadcast_in_dim3A = arith.constant 0.000000e+00 : f32
    %broadcast_in_dim3A_38 = vector.broadcast %broadcast_in_dim3A : f32 to vector<2000x1xf32>
    %mul3A_39 = arith.mulf %slice3A_36, %mul3A_32 : vector<2000x1xf32>
    %mul3A_40 = arith.mulf %slice3A_36, %mul3A_33 : vector<2000x1xf32>
    %mul3A_41 = arith.mulf %slice3A_36, %mul3A_34 : vector<2000x1xf32>
    %mul3A_42 = arith.constant 1.73205078 : f32
    %mul3A_43 = vector.broadcast %mul3A_42 : f32 to vector<2000x1xf32>
    %mul3A_44 = arith.mulf %mul3A_43, %mul3A_32 : vector<2000x1xf32>
    %mul3A_45 = arith.mulf %mul3A_44, %mul3A_34 : vector<2000x1xf32>
    %mul3A_46 = arith.mulf %slice3A_37, %mul3A_45 : vector<2000x1xf32>
    %mul3A_47 = arith.constant 1.73205078 : f32
    %mul3A_48 = vector.broadcast %mul3A_47 : f32 to vector<2000x1xf32>
    %mul3A_49 = arith.mulf %mul3A_48, %mul3A_32 : vector<2000x1xf32>
    %mul3A_50 = arith.mulf %mul3A_49, %mul3A_33 : vector<2000x1xf32>
    %mul3A_51 = arith.mulf %slice3A_37, %mul3A_50 : vector<2000x1xf32>
    %mul3A_52 = arith.mulf %mul3A_33, %mul3A_33 : vector<2000x1xf32>
    %mul3A_53 = arith.mulf %mul3A_32, %mul3A_32 : vector<2000x1xf32>
    %mul3A_54 = arith.mulf %mul3A_34, %mul3A_34 : vector<2000x1xf32>
    %add3A_55 = arith.addf %mul3A_53, %mul3A_54 : vector<2000x1xf32>
    %mul3A_56 = arith.constant 5.000000e-01 : f32
    %mul3A_57 = vector.broadcast %mul3A_56 : f32 to vector<2000x1xf32>
    %mul3A_58 = arith.mulf %mul3A_57, %add3A_55 : vector<2000x1xf32>
    %sub3A_59 = arith.subf %mul3A_52, %mul3A_58 : vector<2000x1xf32>
    %mul3A_60 = arith.mulf %slice3A_37, %sub3A_59 : vector<2000x1xf32>
    %mul3A_61 = arith.constant 1.73205078 : f32
    %mul3A_62 = vector.broadcast %mul3A_61 : f32 to vector<2000x1xf32>
    %mul3A_63 = arith.mulf %mul3A_62, %mul3A_33 : vector<2000x1xf32>
    %mul3A_64 = arith.mulf %mul3A_63, %mul3A_34 : vector<2000x1xf32>
    %mul3A_65 = arith.mulf %slice3A_37, %mul3A_64 : vector<2000x1xf32>
    %mul3A_66 = arith.mulf %mul3A_34, %mul3A_34 : vector<2000x1xf32>
    %mul3A_67 = arith.mulf %mul3A_32, %mul3A_32 : vector<2000x1xf32>
    %sub3A_68 = arith.subf %mul3A_66, %mul3A_67 : vector<2000x1xf32>
    %mul3A_69 = arith.constant 0.866025388 : f32
    %mul3A_70 = vector.broadcast %mul3A_69 : f32 to vector<2000x1xf32>
    %mul3A_71 = arith.mulf %mul3A_70, %sub3A_68 : vector<2000x1xf32>
    %mul3A_72 = arith.mulf %slice3A_37, %mul3A_71 : vector<2000x1xf32>
    %concatenate3A = tpu.concatenate %slice3A_35, %mul3A_39, %mul3A_40, %mul3A_41, %mul3A_46, %mul3A_51, %mul3A_60, %mul3A_65, %mul3A_72, %broadcast_in_dim3A_38, %broadcast_in_dim3A_38, %broadcast_in_dim3A_38, %broadcast_in_dim3A_38, %broadcast_in_dim3A_38, %broadcast_in_dim3A_38, %broadcast_in_dim3A_38 in 1 : vector<2000x1xf32>, vector<2000x1xf32>, vector<2000x1xf32>, vector<2000x1xf32>, vector<2000x1xf32>, vector<2000x1xf32>, vector<2000x1xf32>, vector<2000x1xf32>, vector<2000x1xf32>, vector<2000x1xf32>, vector<2000x1xf32>, vector<2000x1xf32>, vector<2000x1xf32>, vector<2000x1xf32>, vector<2000x1xf32>, vector<2000x1xf32> -> vector<2000x16xf32>
    %swap3A = arith.constant 0 : index
    %swap3A_73 = arith.constant 0 : index
    %swap3A_74 = vector.load %arg5[%swap3A, %swap3A_73] : memref<2000x16xf32, #tpu.memory_space<vmem>>, vector<2000x16xf32>
    tpu.vector_store %arg5[%swap3A, %swap3A_73], %concatenate3A {strides = array<i32>} : memref<2000x16xf32, #tpu.memory_space<vmem>>, vector<2000x16xf32>,
    return
  }
  func.func @transform_0(%arg0: i32) -> (i32, i32) {
    %c0_i32 = arith.constant 0 : i32
    %c0_i32_0 = arith.constant 0 : i32
    return %arg0, %c0_i32 : i32, i32
  }
  func.func @transform_1(%arg0: i32) -> (i32, i32) {
    %c0_i32 = arith.constant 0 : i32
    %c0_i32_0 = arith.constant 0 : i32
    return %arg0, %c0_i32 : i32, i32
  }
  func.func @transform_2(%arg0: i32) -> (i32, i32) {
    %c0_i32 = arith.constant 0 : i32
    %c0_i32_0 = arith.constant 0 : i32
    return %arg0, %c0_i32 : i32, i32
  }
  func.func @transform_3(%arg0: i32) -> (i32, i32) {
    %c0_i32 = arith.constant 0 : i32
    %c0_i32_0 = arith.constant 0 : i32
    %c0_i32_1 = arith.constant 0 : i32
    return %c0_i32, %c0_i32_0 : i32, i32
  }
  func.func @transform_4(%arg0: i32) -> (i32, i32) {
    %c0_i32 = arith.constant 0 : i32
    %c0_i32_0 = arith.constant 0 : i32
    return %arg0, %c0_i32 : i32, i32
  }
}

module attributes {stable_mosaic.version = 14 : i64} {
  func.func @_stage5_body(%arg0: memref<10000x16xf32, #tpu.memory_space<vmem>>, %arg1: memref<10000x16xf32, #tpu.memory_space<vmem>>, %arg2: memref<10000x16xf32, #tpu.memory_space<vmem>>, %arg3: memref<10000x9xf32, #tpu.memory_space<vmem>>) attributes {dimension_semantics = [], scalar_prefetch = 0 : i64, scratch_operands = 0 : i64, tpu.core_type = #tpu.core_type<tc>} {
    %get3A = arith.constant 0 : index
    %get3A_0 = arith.constant 0 : index
    %get3A_1 = vector.load %arg0[%get3A, %get3A_0] : memref<10000x16xf32, #tpu.memory_space<vmem>>, vector<10000x16xf32>
    %get3A_2 = arith.constant 0 : index
    %get3A_3 = arith.constant 0 : index
    %get3A_4 = vector.load %arg1[%get3A_2, %get3A_3] : memref<10000x16xf32, #tpu.memory_space<vmem>>, vector<10000x16xf32>
    %add3A = arith.addf %get3A_1, %get3A_4 : vector<10000x16xf32>
    %slice3A = vector.extract_strided_slice %add3A {offsets = [0, 0], sizes = [10000, 9], strides = [1, 1]} : vector<10000x16xf32> to vector<10000x9xf32>
    %slice3A_5 = vector.extract_strided_slice %add3A {offsets = [0, 9], sizes = [10000, 1], strides = [1, 1]} : vector<10000x16xf32> to vector<10000x1xf32>
    %max3A = arith.constant 1.000000e+00 : f32
    %max3A_6 = vector.broadcast %max3A : f32 to vector<10000x1xf32>
    %max3A_7 = arith.maximumf %slice3A_5, %max3A_6 : vector<10000x1xf32>
    %div3A = vector.broadcast %max3A_7 : vector<10000x1xf32> to vector<10000x9xf32>
    %div3A_8 = arith.divf %slice3A, %div3A : vector<10000x9xf32>
    %get3A_9 = arith.constant 0 : index
    %get3A_10 = arith.constant 0 : index
    %get3A_11 = vector.load %arg2[%get3A_9, %get3A_10] : memref<10000x16xf32, #tpu.memory_space<vmem>>, vector<10000x9xf32>
    %add3A_12 = arith.addf %div3A_8, %get3A_11 : vector<10000x9xf32>
    %swap3A = arith.constant 0 : index
    %swap3A_13 = arith.constant 0 : index
    %swap3A_14 = vector.load %arg3[%swap3A, %swap3A_13] : memref<10000x9xf32, #tpu.memory_space<vmem>>, vector<10000x9xf32>
    tpu.vector_store %arg3[%swap3A, %swap3A_13], %add3A_12 {strides = array<i32>} : memref<10000x9xf32, #tpu.memory_space<vmem>>, vector<10000x9xf32>,
    return
  }
}

</mosaic_0001>

<sc_bundles>
// kernel: kernel.11.cloned.1.call-start
scs
__scs_entry_jumppad:
0x0: {  	(pc) =	sbr.rel $0x88, $3  }
0x1: {  	(tag) =	ssettag $0x0;
	lr =	simm.s32 $0x1  }
0x2: {  	[smem:$0x3F94] =	sst lr;
	_ =	strace $0xD0000000  }
0x3: {  	_ = 	snop  }
0x4: {  	_ = 	snop  }
0x5: {  	_ = 	snop  }
0x6: {  	_ = 	snop  }
0x7: {  	_ = 	snop  }
__scs_overlays_trampoline_lowered:
0x8: {  	[smem:$0x3FA3] =	sst s0  }
0x9: {  	[smem:$0x3FA4] =	sst s1  }
0xa: {  	[smem:$0x3FA5] =	sst s2  }
0xb: {  	[smem:$0x3FA6] =	sst s3  }
0xc: {  	[smem:$0x3FA7] =	sst s4  }
0xd: {  	[smem:$0x3FA8] =	sst s5  }
0xe: {  	[smem:$0x3FA9] =	sst s6  }
0xf: {  	[smem:$0x3FAA] =	sst s7  }
0x10: {  	[smem:$0x3FAB] =	sst s8  }
0x11: {  	[smem:$0x3FAC] =	sst s9;
	s0 =	simm.s32 @!p0 $0x0  }
0x12: {  	s1 =	sld [smem:$0x3F92];
	s0 =	simm.s32 @p0 $0x1  }
0x13: {  	[smem:$0x3FAD] =	sst s0;
	s0 =	simm.s32 @!p1 $0x0  }
0x14: {  	s2 =	sld [smem:$0x3F91];
	s0 =	simm.s32 @p1 $0x1  }
0x15: {  	[smem:$0x3FAE] =	sst s0;
	s0 =	simm.s32 @!p2 $0x0  }
0x16: {  	s3 =	sld [smem:$0x3FDB];
	s0 =	simm.s32 @p2 $0x1  }
0x17: {  	s4 =	simm.s32 $0x1BF5;
	[smem:$0x3FB0] =	sst s0  }
0x18: {  	s0 =	sld [smem:$0x3F93];
	_ =	swait.ge [sflag:s4], $0x0  }
0x19: {  	s7 =	sld [smem:$0x3F94]  }
0x1a: {  	s8 =	sadd.s32 $0xFFFFE003, lr  }
0x1b: {  	s9 =	sadd.s32 $0xFFFFFEF7, lr;
	s5 =	simm.s32 $0xFFFFFFFF;
	p2 =	slt.u32 s8, $0xFFFFF086  }
0x1c: {  	p1 =	slt.u32 s9, $0xF7A;
	s5 =	simm.s32 @!p2 $0x0  }
0x1d: {  	s5 =	simm.s32 @p1 $0x1;
	p0 =	seq.s32 s7, s2  }
0x1e: {  	s7 =	smul.u32 @!p0 $0xF7A, s2;
	p2 =	seq.s32 @!p0 s5, $0x0  }
0x1f: {  	s9 =	smul.u32 $0xF7A, s1;
	s8 =	simm.s32 @!p0 $0x1BF5;
	p2 =	por !p2, p0  }
0x20: {  	[sflag:s8] =	ssyncset.s32 @!p0 $0xFFFFF086;
	s6 =	sadd.s32 @!p0 s3, s7;
	s7 =	simm.s32 @!p0 $0x108  }
0x21: {  	s3 =	sadd.s32 s3, s9;
	s6 =	sadd.s32 @!p0 $0x88, s6;
	s7 =	simm.s32 @p2 $0x1082  }
0x22: {  	[simem:s7], [sflag:s8] =	dma.local @!p0 [hbm:s6], $0xF7A  }
0x23: {  	s9 =	sor.u32 $0xD0000000, s2;
	s6 =	simm.s32 $0x108;
	_ =	swait.ge @!p0 [sflag:s8], $0x0  }
0x24: {  	s3 =	sadd.s32 $0x88, s3;
	s6 =	simm.s32 @!p1 $0x1082;
	[sflag:s4] =	ssyncset.s32 $0xFFFFF086  }
0x25: {  	[simem:s6], [sflag:s4] =	dma.local [hbm:s3], $0xF7A  }
0x26: {  	[smem:$0x3F94] =	sst s1;
	(tag) =	ssettag s2;
	_ =	strace s9  }
0x27: {  	s1 =	sld [smem:$0x3FA4]  }
0x28: {  	s2 =	sld [smem:$0x3FA5]  }
0x29: {  	s4 =	sld [smem:$0x3FA7]  }
0x2a: {  	p0 =	seq.s32 s5, $0x0;
	s5 =	sld [smem:$0x3FA8]  }
0x2b: {  	s6 =	sld [smem:$0x3FA9]  }
0x2c: {  	s7 =	sld [smem:$0x3FAA]  }
0x2d: {  	s3 =	simm.s32 $0x108;
	s8 =	sld [smem:$0x3FAB]  }
0x2e: {  	s3 =	simm.s32 @!p0 $0x1082;
	s9 =	sld [smem:$0x3FAC]  }
0x2f: {  	lr =	sadd.s32 s0, s3;
	s0 =	sld [smem:$0x3FA3]  }
0x30: {  	s3 =	sld [smem:$0x3FA6]  }
0x31: {  	[smem:$0x3FAF] =	sst s10  }
0x32: {  	s10 =	sld [smem:$0x3FAD];
	_ =	sdelay $0x3  }
0x33: {  	p0 =	seq.s32 s10, $0x1;
	s10 =	sld [smem:$0x3FAF];
	_ =	sdelay $0x3  }
0x34: {  	[smem:$0x3FAF] =	sst s10  }
0x35: {  	s10 =	sld [smem:$0x3FAE];
	_ =	sdelay $0x3  }
0x36: {  	p1 =	seq.s32 s10, $0x1;
	s10 =	sld [smem:$0x3FAF];
	_ =	sdelay $0x3  }
0x37: {  	[smem:$0x3FAF] =	sst s10  }
0x38: {  	s10 =	sld [smem:$0x3FB0]  }
0x39: {  	_ = 	snop;
	(pc) =	sbr.ind lr, $3  }
0x3a: {  	_ = 	snop  }
0x3b: {  	_ = 	snop  }
0x3c: {  	p2 =	seq.s32 s10, $0x1;
	s10 =	sld [smem:$0x3FAF]  }
0x3d: {  	_ =	shalt  }
0x3e: {  	_ =	shalt  }
0x3f: {  	_ =	shalt  }
0x40: {  	_ =	shalt  }
0x41: {  	_ =	shalt  }
0x42: {  	_ =	shalt  }
0x43: {  	_ =	shalt  }
0x44: {  	_ =	shalt  }
0x45: {  	_ =	shalt  }
0x46: {  	_ =	shalt  }
0x47: {  	_ =	shalt  }
0x48: {  	_ =	shalt  }
0x49: {  	_ =	shalt  }
0x4a: {  	_ =	shalt  }
0x4b: {  	_ =	shalt  }
0x4c: {  	_ =	shalt  }
0x4d: {  	_ =	shalt  }
0x4e: {  	_ =	shalt  }
0x4f: {  	_ =	shalt  }
0x50: {  	_ =	shalt  }
0x51: {  	_ =	shalt  }
0x52: {  	_ =	shalt  }
0x53: {  	_ =	shalt  }
0x54: {  	_ =	shalt  }
0x55: {  	_ =	shalt  }
0x56: {  	_ =	shalt  }
0x57: {  	_ =	shalt  }
0x58: {  	_ =	shalt  }
0x59: {  	_ =	shalt  }
0x5a: {  	_ =	shalt  }
0x5b: {  	_ =	shalt  }
0x5c: {  	_ =	shalt  }
0x5d: {  	_ =	shalt  }
0x5e: {  	_ =	shalt  }
0x5f: {  	_ =	shalt  }
0x60: {  	_ =	shalt  }
0x61: {  	_ =	shalt  }
0x62: {  	_ =	shalt  }
0x63: {  	_ =	shalt  }
0x64: {  	_ =	shalt  }
0x65: {  	_ =	shalt  }
0x66: {  	_ =	shalt  }
0x67: {  	_ =	shalt  }
0x68: {  	_ =	shalt  }
0x69: {  	_ =	shalt  }
0x6a: {  	_ =	shalt  }
0x6b: {  	_ =	shalt  }
0x6c: {  	_ =	shalt  }
0x6d: {  	_ =	shalt  }
0x6e: {  	_ =	shalt  }
0x6f: {  	_ =	shalt  }
0x70: {  	_ =	shalt  }
0x71: {  	_ =	shalt  }
0x72: {  	_ =	shalt  }
0x73: {  	_ =	shalt  }
0x74: {  	_ =	shalt  }
0x75: {  	_ =	shalt  }
0x76: {  	_ =	shalt  }
0x77: {  	_ =	shalt  }
0x78: {  	_ =	shalt  }
0x79: {  	_ =	shalt  }
0x7a: {  	_ =	shalt  }
0x7b: {  	_ =	shalt  }
0x7c: {  	_ =	shalt  }
0x7d: {  	_ =	shalt  }
0x7e: {  	_ =	shalt  }
0x7f: {  	_ =	shalt  }
0x80: {  	_ =	shalt  }
0x81: {  	_ =	shalt  }
0x82: {  	_ =	shalt  }
0x83: {  	_ =	shalt  }
0x84: {  	_ =	shalt  }
0x85: {  	_ =	shalt  }
0x86: {  	_ =	shalt  }
0x87: {  	_ =	shalt  }
.Lfunc_end0:
.L_simem_size_0:
called_computation.1_lowered:
.L_overlay_start_0:
0x88: {  	s2 =	sld [smem:$0x3FD9]  }
0x89: {  	s3 =	sld [smem:$0x3FFE];
	_ =	sdelay $0x1  }
0x8a: {  	s1 =	srdreg.scid  }
0x8b: {  	s0 =	sand.u32 $0x1, s1  }
0x8c: {  	s17 =	sshll.u32 s0, $0xA;
	s2 =	sadd.s32 s3, s2  }
0x8d: {  	s2 =	sadd.s32 s2, s17  }
0x8e: {  	[smem:$0x3FBB] =	sst s2  }
0x8f: {  	_ = 	snop  }
0x90: {  	s2 =	sld [smem:$0x3FD0];
	(tm) =	ssettm $0x1  }
0x91: {  	s18 =	sld [smem:$0x3FFB];
	_ =	sdelay $0x3  }
0x92: {  	_ =	strace s18  }
0x93: {  	s3 =	sld [smem:$0x3FFC];
	_ =	sdelay $0x3  }
0x94: {  	_ =	strace s3  }
0x95: {  	s3 =	sld [smem:$0x3FFD];
	_ =	sdelay $0x3  }
0x96: {  	_ =	strace s3  }
0x97: {  	_ =	strace $0x8FFFFFFF  }
0x98: {  	s19 =	sld [smem:$0x3FDB];
	_ =	sdelay $0x1  }
0x99: {  	s4 =	simm.s32 $_scs_section_size  }
0x9a: {  	s5 =	simm.s32 $_size__tile_overlayer_lowered;
	s6 =	simm.s32 $_tile_overlayer_lowered  }
0x9b: {  	s22 =	simm.s32 $0x1BFF;
	s21 =	sshll.u32 s6, $0x1;
	s3 =	sadd.s32 s4, s19  }
0x9c: {  	s7 =	simm.s32 $0x0;
	s20 =	sshll.u32 s5, $0x1;
	s5 =	sadd.s32 s21, s3  }
0x9d: {  	[timem:s7], [sflag:s22] =	dma.local [hbm:s5], s20  }
0x9e: {  	_ =	swait.ge [sflag:s22], s20  }
0x9f: {  	s4 =	ssub.s32 $0x0, s20;
	[sflag:s22] =	ssyncset.done $0x0  }
0xa0: {  	[sflag:s22] =	ssyncadd.s32 s4;
	_ =	sdelay $0x1  }
0xa1: {  	s23 =	simm.s32 $0x1B8B  }
0xa2: {  	_ =	swait.ge [sflag:s23], $0x1  }
0xa3: {  	[sflag:s23] =	ssyncset.done $0x0  }
0xa4: {  	s25 =	simm.s32 $0x1B8E;
	s24 =	sld [smem:$0x3FFE];
	[sflag:s23] =	ssyncadd.s32 $0xFFFFFFFF  }
0xa5: {  	s26 =	simm.s32 $execute0_lowered;
	[smem:$0x3FD2] =	sst s25  }
0xa6: {  	s5 =	sshll.u32 s26, $0x1;
	_ =	strace $0x80000049;
	[dreg:$0x1] =	wrdreg $0xFFFFFFFF  }
0xa7: {  	s28 =	simm.s32 $_size_execute0_lowered;
	s3 =	sadd.s32 s3, s5;
	[dreg:$0x0] =	wrdreg $0x0  }
0xa8: {  	s5 =	sshll.u32 s28, $0x1;
	[dreg:$0x2] =	wrdreg s3  }
0xa9: {  	[dreg:$0x3] =	wrdreg s5  }
0xaa: {  	[dreg:$0x4] =	wrdreg $0xC0  }
0xab: {  	_ =	task [dreg:s7], $0x5FFFF  }
0xac: {  	[dreg:$0x1] =	wrdreg $0xFFFFFFFF  }
0xad: {  	[dreg:$0x0] =	wrdreg $0x60  }
0xae: {  	[dreg:$0x2] =	wrdreg s24  }
0xaf: {  	[dreg:$0x3] =	wrdreg s2  }
0xb0: {  	[dreg:$0x4] =	wrdreg $0x88000  }
0xb1: {  	[dreg:$0x5] =	wrdreg $0x9  }
0xb2: {  	_ =	task.clear_ibuf [dreg:s7], $0x6FFFF;
	_ =	strace $0x90000049  }
0xb3: {  	s29 =	simm.s32 $0x9;
	_ =	strace $0x8000004B  }
0xb4: {  	_ =	swait.ge [sflag:s29], $0x1  }
0xb5: {  	[sflag:s29] =	ssyncadd.s32 $0xFFFFFFFF  }
0xb6: {  	_ =	strace $0x9000004B  }
0xb7: {  	_ =	sfence  }
0xb8: {  	s30 =	sld [smem:$0x0];
	_ =	sdelay $0x2  }
0xb9: {  	s31 =	sshll.u32 s1, $0xD;
	s1 =	sshrl.u32 s1, $0x2  }
0xba: {  	s3 =	sand.u32 $0x4000, s31;
	s1 =	sadd.s32 s1, s30  }
0xbb: {  	s0 =	sor.u32 s3, s0;
	s1 =	sshll.u32 s1, $0x11  }
0xbc: {  	s0 =	sor.u32 s1, s0  }
0xbd: {  	s0 =	sadd.s32 $0x8F2B, s0  }
0xbe: {  	[sflag:s0] =	ssyncadd.remote.s32 $0x1  }
0xbf: {  	_ =	sfence.sel $0xFFFF  }
0xc0: {  	[dreg:$0x0] =	wrdreg $0xFFFFFFFF;
	(pc) =	sbr.abs _section_cstart, $3  }
0xc1: {  	[dreg:$0x1] =	wrdreg $0xFFFFFFFF  }
0xc2: {  	_ =	task.clear_ibuf [dreg:s7], $0x2FFFF;
	_ =	strace $0x9FFFFFFF  }
0xc3: {  	(tm) =	ssettm $0x7FFFFFFF  }
tec
execute0_lowered:
.L_overlay_start_1:
0x0: {  	(tag) =	ssettag $0x1  }
0x1: {  	s0 =	rddreg [dreg:$0x0]  }
0x2: {  	s1 =	srdreg.scid;
	s4 =	stileid.u32  }
0x3: {  	s2 =	rddreg [dreg:$0x2];
	s3 =	simm.s32 $0x0;
	s15 =	simm.s32 $0x8080  }
0x4: {  	s16 =	simm.s32 $0x800;
	s18 =	simm.s32 $0x8100;
	s19 =	simm.s32 $0x1000  }
0x5: {  	s21 =	simm.s32 $0x8180;
	s22 =	simm.s32 $0x1800;
	s23 =	simm.s32 $0x8200  }
0x6: {  	s24 =	simm.s32 $0x2000;
	s8 =	simm.s32 $0x8000;
	[smem:$0x7FF] =	sst s3  }
0x7: {  	s25 =	simm.s32 $0x8280;
	_ =	strace $0x8000004A;
	[dreg:$0x5] =	wrdreg s15  }
0x8: {  	s9 =	simm.s32 $0x2;
	s26 =	simm.s32 $0x2800;
	[dreg:$0x6] =	wrdreg s16  }
0x9: {  	s10 =	simm.s32 $0x80;
	s11 =	simm.s32 $0x8300;
	[dreg:$0x7] =	wrdreg s18  }
0xa: {  	s12 =	simm.s32 $0x3000;
	s28 =	simm.s32 $0x8700;
	[dreg:$0x8] =	wrdreg s19  }
0xb: {  	s29 =	simm.s32 $0x7000;
	s6 =	smul.u32 $0x2800, s4;
	[dreg:$0x9] =	wrdreg s21  }
0xc: {  	s1 =	sand.u32 $0x1, s1;
	s17 =	smul.u32 $0x5000, s4;
	[dreg:$0xa] =	wrdreg s22  }
0xd: {  	s30 =	simm.s32 $0x8780;
	s5 =	smul.u32 $0x28000, s1;
	[dreg:$0xb] =	wrdreg s23  }
0xe: {  	s31 =	simm.s32 $0x7800;
	s7 =	smul.u32 $0x50000, s1;
	[dreg:$0xc] =	wrdreg s24  }
0xf: {  	p0 =	sne.s32 s4, $0x0;
	s13 =	smul.u32 $0x4E20, s1;
	[dreg:$0xd] =	wrdreg s25  }
0x10: {  	s1 =	ssub.s32 $0x2, s1;
	[dreg:$0xe] =	wrdreg s26;
	s15 =	simm.s32 $0x8400  }
0x11: {  	s16 =	simm.s32 $0x4000;
	s18 =	simm.s32 $0x4800;
	s19 =	simm.s32 $0x8500  }
0x12: {  	s21 =	simm.s32 $0x8580;
	s22 =	simm.s32 $0x5800;
	s23 =	simm.s32 $0x8600  }
0x13: {  	s24 =	simm.s32 $0x6000;
	s25 =	simm.s32 $0x8680;
	s26 =	simm.s32 $0x6800  }
0x14: {  	s14 =	sshrl.u32 s1, $0x1;
	s5 =	sadd.s32 s6, s5;
	s7 =	sadd.s32 s7, s0  }
0x15: {  	s1 =	ssub.s32 s1, s14;
	s14 =	simm.s32 $0x3800;
	s6 =	simm.s32 $0x0  }
0x16: {  	s5 =	sshrl.u32 s5, $0x3;
	s1 =	smax.u32 s1, $0x1;
	s20 =	sadd.s32 s17, s7  }
0x17: {  	s5 =	sadd.s32 s5, s0;
	[dreg:$0x10] =	wrdreg s1;
	s1 =	sadd.s32 $0xEC000, s20  }
0x18: {  	s0 =	sadd.s32 s13, s0;
	s5 =	sadd.s32 $0x68CA00, s5;
	[dreg:$0x11] =	wrdreg s1  }
0x19: {  	s17 =	simm.s32 $0x8480;
	s0 =	sadd.s32 $0x5000, s0;
	[dreg:$0x4] =	wrdreg s5  }
0x1a: {  	s13 =	simm.s32 $0x8380;
	[dreg:$0xf] =	wrdreg s0;
	s5 =	sshrl.u32 @!p0 s2, $0x3  }
0x1b: {  	s20 =	simm.s32 $0x5000;
	s1 =	simm.s32 $0x1;
	[dreg:$0x12] =	wrdreg s5  }
.LBB2_1:
0x1c: {  	[dreg:$0x13] =	wrdreg s6  }
0x1d: {  	s4 =	simm.s32 @!p0 $0x1C02;
	s0 =	rddreg [dreg:$0x1]  }
0x1e: {  	[spmem:s5], [sflag:s4] =	dma.local @!p0 [hbm:s0], $0x4E20  }
0x1f: {  	s4 =	simm.s32 @!p0 $0x2  }
0x20: {  	_ =	swait.ge @!p0 [sflag:s4], $0x4E20  }
0x21: {  	[sflag:s4] =	ssyncset.done @!p0 $0x0  }
0x22: {  	[sflag:s4] =	ssyncadd.s32 @!p0 $0xFFFFB1E0  }
0x23: {  	[bflag:$0x0] =	sbarrier.arrive $0xFFFF  }
0x24: {  	s7 =	rddreg [dreg:$0x4]  }
0x25: {  	s4 =	sadd.s32 $0x0, s7  }
0x26: {  	[tilespmem:s8], [sflag:$0x2] =	stream.linear.gather [hbm4b:s4+s3], $0x800, $0x38;
	[tilespmem:$0xAF10] =	vst v63  }
0x27: {  	_ =	swait.ge [sflag:s9], $0x800  }
0x28: {  	[sflag:s9] =	ssyncset.done $0x0  }
0x29: {  	s0 =	rddreg [dreg:$0x11];
	[sflag:s9] =	ssyncadd.s32 $0xFFFFF800  }
0x2a: {  	[tilespmem:s3], [sflag:$0x2] =	stream.linear.gather [hbm4b:s0+s3], $0x8000, $0x38;
	[tilespmem:$0xAF10] =	vst v63  }
0x2b: {  	_ =	swait.ge [sflag:s9], $0x8000  }
0x2c: {  	s4 =	rddreg [dreg:$0x7]  }
0x2d: {  	[sflag:s9] =	ssyncset.done $0x0;
	s6 =	rddreg [dreg:$0x5]  }
0x2e: {  	s5 =	rddreg [dreg:$0x6];
	[sflag:s9] =	ssyncadd.s32 $0xFFFF8000  }
0x2f: {  	[spmem:s2] =	stream.indirect.scatter.add.f32 [tilespmem:s3], [sflag:$0x1], $0x10, s8, s10, $0xb8;
	[tilespmem:$0xAF10] =	vst v63  }
0x30: {  	s7 =	rddreg [dreg:$0x8]  }
0x31: {  	[spmem:s2] =	stream.indirect.scatter.add.f32 [tilespmem:s5], [sflag:$0x1], $0x10, s6, s10, $0xb8;
	[tilespmem:$0xAF10] =	vst v63  }
0x32: {  	s5 =	rddreg [dreg:$0x9]  }
0x33: {  	s6 =	rddreg [dreg:$0xa]  }
0x34: {  	[spmem:s2] =	stream.indirect.scatter.add.f32 [tilespmem:s7], [sflag:$0x1], $0x10, s4, s10, $0xb8;
	[tilespmem:$0xAF10] =	vst v63  }
0x35: {  	s4 =	rddreg [dreg:$0xc]  }
0x36: {  	s7 =	rddreg [dreg:$0xb]  }
0x37: {  	[spmem:s2] =	stream.indirect.scatter.add.f32 [tilespmem:s6], [sflag:$0x1], $0x10, s5, s10, $0xb8;
	[tilespmem:$0xAF10] =	vst v63  }
0x38: {  	s5 =	rddreg [dreg:$0xe]  }
0x39: {  	[spmem:s2] =	stream.indirect.scatter.add.f32 [tilespmem:s4], [sflag:$0x1], $0x10, s7, s10, $0xb8;
	[tilespmem:$0xAF10] =	vst v63  }
0x3a: {  	s6 =	rddreg [dreg:$0xd]  }
0x3b: {  	[spmem:s2] =	stream.indirect.scatter.add.f32 [tilespmem:s5], [sflag:$0x1], $0x10, s6, s10, $0xb8;
	[tilespmem:$0xAF10] =	vst v63  }
0x3c: {  	_ = 	snop  }
0x3d: {  	[spmem:s2] =	stream.indirect.scatter.add.f32 [tilespmem:s12], [sflag:$0x1], $0x10, s11, s10, $0xb8;
	[tilespmem:$0xAF10] =	vst v63  }
0x3e: {  	_ = 	snop  }
0x3f: {  	[spmem:s2] =	stream.indirect.scatter.add.f32 [tilespmem:s14], [sflag:$0x1], $0x10, s13, s10, $0xb8;
	[tilespmem:$0xAF10] =	vst v63  }
0x40: {  	_ = 	snop  }
0x41: {  	[spmem:s2] =	stream.indirect.scatter.add.f32 [tilespmem:s16], [sflag:$0x1], $0x10, s15, s10, $0xb8;
	[tilespmem:$0xAF10] =	vst v63  }
0x42: {  	_ = 	snop  }
0x43: {  	[spmem:s2] =	stream.indirect.scatter.add.f32 [tilespmem:s18], [sflag:$0x1], $0x10, s17, s10, $0xb8;
	[tilespmem:$0xAF10] =	vst v63  }
0x44: {  	_ = 	snop  }
0x45: {  	[spmem:s2] =	stream.indirect.scatter.add.f32 [tilespmem:s20], [sflag:$0x1], $0x10, s19, s10, $0xb8;
	[tilespmem:$0xAF10] =	vst v63  }
0x46: {  	_ = 	snop  }
0x47: {  	[spmem:s2] =	stream.indirect.scatter.add.f32 [tilespmem:s22], [sflag:$0x1], $0x10, s21, s10, $0xb8;
	[tilespmem:$0xAF10] =	vst v63  }
0x48: {  	_ = 	snop  }
0x49: {  	[spmem:s2] =	stream.indirect.scatter.add.f32 [tilespmem:s24], [sflag:$0x1], $0x10, s23, s10, $0xb8;
	[tilespmem:$0xAF10] =	vst v63  }
0x4a: {  	_ = 	snop  }
0x4b: {  	[spmem:s2] =	stream.indirect.scatter.add.f32 [tilespmem:s26], [sflag:$0x1], $0x10, s25, s10, $0xb8;
	[tilespmem:$0xAF10] =	vst v63  }
0x4c: {  	_ = 	snop  }
0x4d: {  	[spmem:s2] =	stream.indirect.scatter.add.f32 [tilespmem:s29], [sflag:$0x1], $0x10, s28, s10, $0xb8;
	[tilespmem:$0xAF10] =	vst v63  }
0x4e: {  	_ = 	snop  }
0x4f: {  	[spmem:s2] =	stream.indirect.scatter.add.f32 [tilespmem:s31], [sflag:$0x1], $0x10, s30, s10, $0xb8;
	[tilespmem:$0xAF10] =	vst v63  }
0x50: {  	_ =	swait.ge [sflag:s1], $0x800  }
0x51: {  	[sflag:s1] =	ssyncset.done $0x0  }
0x52: {  	[sflag:s1] =	ssyncadd.s32 $0xFFFFF800  }
0x53: {  	_ =	swait.ge [sflag:s1], $0x800  }
0x54: {  	[sflag:s1] =	ssyncset.done $0x0  }
0x55: {  	[sflag:s1] =	ssyncadd.s32 $0xFFFFF800  }
0x56: {  	_ =	swait.ge [sflag:s1], $0x800  }
0x57: {  	[sflag:s1] =	ssyncset.done $0x0  }
0x58: {  	[sflag:s1] =	ssyncadd.s32 $0xFFFFF800  }
0x59: {  	_ =	swait.ge [sflag:s1], $0x800  }
0x5a: {  	[sflag:s1] =	ssyncset.done $0x0  }
0x5b: {  	[sflag:s1] =	ssyncadd.s32 $0xFFFFF800  }
0x5c: {  	_ =	swait.ge [sflag:s1], $0x800  }
0x5d: {  	[sflag:s1] =	ssyncset.done $0x0  }
0x5e: {  	[sflag:s1] =	ssyncadd.s32 $0xFFFFF800  }
0x5f: {  	_ =	swait.ge [sflag:s1], $0x800  }
0x60: {  	[sflag:s1] =	ssyncset.done $0x0  }
0x61: {  	[sflag:s1] =	ssyncadd.s32 $0xFFFFF800  }
0x62: {  	_ =	swait.ge [sflag:s1], $0x800  }
0x63: {  	[sflag:s1] =	ssyncset.done $0x0  }
0x64: {  	[sflag:s1] =	ssyncadd.s32 $0xFFFFF800  }
0x65: {  	_ =	swait.ge [sflag:s1], $0x800  }
0x66: {  	[sflag:s1] =	ssyncset.done $0x0  }
0x67: {  	[sflag:s1] =	ssyncadd.s32 $0xFFFFF800  }
0x68: {  	_ =	swait.ge [sflag:s1], $0x800  }
0x69: {  	[sflag:s1] =	ssyncset.done $0x0  }
0x6a: {  	[sflag:s1] =	ssyncadd.s32 $0xFFFFF800  }
0x6b: {  	_ =	swait.ge [sflag:s1], $0x800  }
0x6c: {  	[sflag:s1] =	ssyncset.done $0x0  }
0x6d: {  	[sflag:s1] =	ssyncadd.s32 $0xFFFFF800  }
0x6e: {  	_ =	swait.ge [sflag:s1], $0x800  }
0x6f: {  	[sflag:s1] =	ssyncset.done $0x0  }
0x70: {  	[sflag:s1] =	ssyncadd.s32 $0xFFFFF800  }
0x71: {  	_ =	swait.ge [sflag:s1], $0x800  }
0x72: {  	[sflag:s1] =	ssyncset.done $0x0  }
0x73: {  	[sflag:s1] =	ssyncadd.s32 $0xFFFFF800  }
0x74: {  	_ =	swait.ge [sflag:s1], $0x800  }
0x75: {  	[sflag:s1] =	ssyncset.done $0x0  }
0x76: {  	[sflag:s1] =	ssyncadd.s32 $0xFFFFF800  }
0x77: {  	_ =	swait.ge [sflag:s1], $0x800  }
0x78: {  	[sflag:s1] =	ssyncset.done $0x0  }
0x79: {  	[sflag:s1] =	ssyncadd.s32 $0xFFFFF800  }
0x7a: {  	s4 =	simm.s32 $0x100;
	s6 =	smov.u32 s0;
	_ =	swait.ge [sflag:s1], $0x800  }
.LBB2_2:
0x7b: {  	[sflag:s1] =	ssyncset.done $0x0  }
0x7c: {  	[sflag:s1] =	ssyncadd.s32 $0xFFFFF800  }
0x7d: {  	_ =	swait.ge [sflag:s1], $0x800  }
0x7e: {  	s5 =	smov.u32 s4;
	s7 =	rddreg [dreg:$0x4];
	[sflag:s1] =	ssyncset.done $0x0  }
0x7f: {  	[sflag:s1] =	ssyncadd.s32 $0xFFFFF800;
	s5 =	sadd.s32 s5, s7  }
0x80: {  	[tilespmem:s8], [sflag:$0x2] =	stream.linear.gather [hbm4b:s5+s3], $0x800, $0x38;
	[tilespmem:$0xAF10] =	vst v63  }
0x81: {  	_ =	swait.ge [sflag:s9], $0x800  }
0x82: {  	[sflag:s9] =	ssyncset.done $0x0  }
0x83: {  	s6 =	sadd.s32 $0x1000, s6;
	[sflag:s9] =	ssyncadd.s32 $0xFFFFF800  }
0x84: {  	[tilespmem:s3], [sflag:$0x2] =	stream.linear.gather [hbm4b:s6+s3], $0x8000, $0x38;
	[tilespmem:$0xAF10] =	vst v63  }
0x85: {  	_ =	swait.ge [sflag:s9], $0x8000  }
0x86: {  	s5 =	rddreg [dreg:$0xe]  }
0x87: {  	s7 =	rddreg [dreg:$0xc]  }
0x88: {  	s0 =	rddreg [dreg:$0x9]  }
0x89: {  	[sflag:s9] =	ssyncset.done $0x0;
	s11 =	rddreg [dreg:$0x7]  }
0x8a: {  	s12 =	rddreg [dreg:$0x5];
	[sflag:s9] =	ssyncadd.s32 $0xFFFF8000  }
0x8b: {  	[spmem:s2] =	stream.indirect.scatter.add.f32 [tilespmem:s3], [sflag:$0x1], $0x10, s8, s10, $0xb8;
	[tilespmem:$0xAF10] =	vst v63  }
0x8c: {  	s13 =	rddreg [dreg:$0x6]  }
0x8d: {  	[spmem:s2] =	stream.indirect.scatter.add.f32 [tilespmem:s13], [sflag:$0x1], $0x10, s12, s10, $0xb8;
	[tilespmem:$0xAF10] =	vst v63  }
0x8e: {  	s14 =	rddreg [dreg:$0x8]  }
0x8f: {  	[spmem:s2] =	stream.indirect.scatter.add.f32 [tilespmem:s14], [sflag:$0x1], $0x10, s11, s10, $0xb8;
	[tilespmem:$0xAF10] =	vst v63  }
0x90: {  	s12 =	rddreg [dreg:$0xa]  }
0x91: {  	[spmem:s2] =	stream.indirect.scatter.add.f32 [tilespmem:s12], [sflag:$0x1], $0x10, s0, s10, $0xb8;
	[tilespmem:$0xAF10] =	vst v63  }
0x92: {  	s11 =	rddreg [dreg:$0xb]  }
0x93: {  	[spmem:s2] =	stream.indirect.scatter.add.f32 [tilespmem:s7], [sflag:$0x1], $0x10, s11, s10, $0xb8;
	[tilespmem:$0xAF10] =	vst v63  }
0x94: {  	s0 =	rddreg [dreg:$0xd]  }
0x95: {  	[spmem:s2] =	stream.indirect.scatter.add.f32 [tilespmem:s5], [sflag:$0x1], $0x10, s0, s10, $0xb8;
	[tilespmem:$0xAF10] =	vst v63  }
0x96: {  	s12 =	simm.s32 $0x3000;
	s11 =	simm.s32 $0x8300  }
0x97: {  	[spmem:s2] =	stream.indirect.scatter.add.f32 [tilespmem:s12], [sflag:$0x1], $0x10, s11, s10, $0xb8;
	[tilespmem:$0xAF10] =	vst v63  }
0x98: {  	s13 =	simm.s32 $0x8380;
	s14 =	simm.s32 $0x3800  }
0x99: {  	[spmem:s2] =	stream.indirect.scatter.add.f32 [tilespmem:s14], [sflag:$0x1], $0x10, s13, s10, $0xb8;
	[tilespmem:$0xAF10] =	vst v63  }
0x9a: {  	_ = 	snop  }
0x9b: {  	[spmem:s2] =	stream.indirect.scatter.add.f32 [tilespmem:s16], [sflag:$0x1], $0x10, s15, s10, $0xb8;
	[tilespmem:$0xAF10] =	vst v63  }
0x9c: {  	_ = 	snop  }
0x9d: {  	[spmem:s2] =	stream.indirect.scatter.add.f32 [tilespmem:s18], [sflag:$0x1], $0x10, s17, s10, $0xb8;
	[tilespmem:$0xAF10] =	vst v63  }
0x9e: {  	_ = 	snop  }
0x9f: {  	[spmem:s2] =	stream.indirect.scatter.add.f32 [tilespmem:s20], [sflag:$0x1], $0x10, s19, s10, $0xb8;
	[tilespmem:$0xAF10] =	vst v63  }
0xa0: {  	_ = 	snop  }
0xa1: {  	[spmem:s2] =	stream.indirect.scatter.add.f32 [tilespmem:s22], [sflag:$0x1], $0x10, s21, s10, $0xb8;
	[tilespmem:$0xAF10] =	vst v63  }
0xa2: {  	_ = 	snop  }
0xa3: {  	[spmem:s2] =	stream.indirect.scatter.add.f32 [tilespmem:s24], [sflag:$0x1], $0x10, s23, s10, $0xb8;
	[tilespmem:$0xAF10] =	vst v63  }
0xa4: {  	_ = 	snop  }
0xa5: {  	[spmem:s2] =	stream.indirect.scatter.add.f32 [tilespmem:s26], [sflag:$0x1], $0x10, s25, s10, $0xb8;
	[tilespmem:$0xAF10] =	vst v63  }
0xa6: {  	_ = 	snop  }
0xa7: {  	[spmem:s2] =	stream.indirect.scatter.add.f32 [tilespmem:s29], [sflag:$0x1], $0x10, s28, s10, $0xb8;
	[tilespmem:$0xAF10] =	vst v63  }
0xa8: {  	_ = 	snop  }
0xa9: {  	[spmem:s2] =	stream.indirect.scatter.add.f32 [tilespmem:s31], [sflag:$0x1], $0x10, s30, s10, $0xb8;
	[tilespmem:$0xAF10] =	vst v63  }
0xaa: {  	_ =	swait.ge [sflag:s1], $0x800  }
0xab: {  	[sflag:s1] =	ssyncset.done $0x0  }
0xac: {  	[sflag:s1] =	ssyncadd.s32 $0xFFFFF800  }
0xad: {  	_ =	swait.ge [sflag:s1], $0x800  }
0xae: {  	[sflag:s1] =	ssyncset.done $0x0  }
0xaf: {  	[sflag:s1] =	ssyncadd.s32 $0xFFFFF800  }
0xb0: {  	_ =	swait.ge [sflag:s1], $0x800  }
0xb1: {  	[sflag:s1] =	ssyncset.done $0x0  }
0xb2: {  	[sflag:s1] =	ssyncadd.s32 $0xFFFFF800  }
0xb3: {  	_ =	swait.ge [sflag:s1], $0x800  }
0xb4: {  	[sflag:s1] =	ssyncset.done $0x0  }
0xb5: {  	[sflag:s1] =	ssyncadd.s32 $0xFFFFF800  }
0xb6: {  	_ =	swait.ge [sflag:s1], $0x800  }
0xb7: {  	[sflag:s1] =	ssyncset.done $0x0  }
0xb8: {  	[sflag:s1] =	ssyncadd.s32 $0xFFFFF800  }
0xb9: {  	_ =	swait.ge [sflag:s1], $0x800  }
0xba: {  	[sflag:s1] =	ssyncset.done $0x0  }
0xbb: {  	[sflag:s1] =	ssyncadd.s32 $0xFFFFF800  }
0xbc: {  	_ =	swait.ge [sflag:s1], $0x800  }
0xbd: {  	[sflag:s1] =	ssyncset.done $0x0  }
0xbe: {  	[sflag:s1] =	ssyncadd.s32 $0xFFFFF800  }
0xbf: {  	_ =	swait.ge [sflag:s1], $0x800  }
0xc0: {  	[sflag:s1] =	ssyncset.done $0x0  }
0xc1: {  	[sflag:s1] =	ssyncadd.s32 $0xFFFFF800  }
0xc2: {  	_ =	swait.ge [sflag:s1], $0x800  }
0xc3: {  	[sflag:s1] =	ssyncset.done $0x0  }
0xc4: {  	[sflag:s1] =	ssyncadd.s32 $0xFFFFF800  }
0xc5: {  	_ =	swait.ge [sflag:s1], $0x800  }
0xc6: {  	[sflag:s1] =	ssyncset.done $0x0  }
0xc7: {  	[sflag:s1] =	ssyncadd.s32 $0xFFFFF800  }
0xc8: {  	_ =	swait.ge [sflag:s1], $0x800  }
0xc9: {  	[sflag:s1] =	ssyncset.done $0x0  }
0xca: {  	[sflag:s1] =	ssyncadd.s32 $0xFFFFF800  }
0xcb: {  	_ =	swait.ge [sflag:s1], $0x800  }
0xcc: {  	[sflag:s1] =	ssyncset.done $0x0  }
0xcd: {  	[sflag:s1] =	ssyncadd.s32 $0xFFFFF800  }
0xce: {  	_ =	swait.ge [sflag:s1], $0x800  }
0xcf: {  	p1 =	sne.s32 s4, $0x400;
	[sflag:s1] =	ssyncset.done $0x0  }
.Ltmp0:
0xd0: {  	[sflag:s1] =	ssyncadd.s32 $0xFFFFF800;
	(pc) =	sbr.rel @p1 .LBB2_2-.Ltmp0, $4  }
0xd1: {  	_ =	swait.ge [sflag:s1], $0x800  }
0xd2: {  	[sflag:s1] =	ssyncset.done $0x0  }
0xd3: {  	[sflag:s1] =	ssyncadd.s32 $0xFFFFF800  }
0xd4: {  	s4 =	sadd.s32 $0x100, s4;
	_ =	swait.ge [sflag:s1], $0x800  }
0xd5: {  	[sflag:s1] =	ssyncset.done $0x0  }
0xd6: {  	[sflag:s1] =	ssyncadd.s32 $0xFFFFF800  }
0xd7: {  	_ =	swait.ge [sflag:s1], $0x800  }
0xd8: {  	[sflag:s1] =	ssyncset.done $0x0  }
0xd9: {  	[sflag:s1] =	ssyncadd.s32 $0xFFFFF800  }
0xda: {  	[bflag:$0x0] =	sbarrier.arrive $0xFFFF  }
0xdb: {  	s4 =	rddreg [dreg:$0xf]  }
0xdc: {  	s0 =	simm.s32 @!p0 $0x1C02;
	s5 =	rddreg [dreg:$0x12]  }
0xdd: {  	[hbm:s4], [sflag:s0] =	dma.local @!p0 [spmem:s5], $0x4E20  }
0xde: {  	s0 =	simm.s32 @!p0 $0x2  }
0xdf: {  	_ =	swait.ge @!p0 [sflag:s0], $0x4E20  }
0xe0: {  	s6 =	rddreg [dreg:$0x13]  }
0xe1: {  	s7 =	rddreg [dreg:$0x10];
	s6 =	sadd.s32 $0x1, s6  }
0xe2: {  	p1 =	sne.s32 s6, s7  }
.Ltmp1:
0xe3: {  	_ = 	snop;
	(pc) =	sbr.rel @p1 .LBB2_1-.Ltmp1, $3  }
0xe4: {  	_ =	sdelay $0x1  }
0xe5: {  	[sflag:s0] =	ssyncset.done @!p0 $0x0  }
0xe6: {  	[sflag:s0] =	ssyncadd.s32 @!p0 $0xFFFFB1E0  }
0xe7: {  	_ =	sfence.sel $0x180000  }
0xe8: {  	[bflag:$0x0] =	sbarrier.arrive $0xFFFF  }
0xe9: {  	_ =	strace $0x9000004A  }
0xea: {  	[bflag:$0x2] =	sbarrier.arrive $0xFFFF  }
0xeb: {  	s0 =	rddreg [dreg:$0x3]  }
0xec: {  	s0 =	sadd.s32 @!p0 $0x100000, s0  }
0xed: {  	[sflag:s0] =	ssyncadd.tile.s32 @!p0 $0x1;
	_ =	shalt  }
.Lfunc_end2:
_tile_overlayer_lowered:
.L_overlay_start_2:
0xee: {  	(tag) =	ssettag $0x2  }
0xef: {  	s0 =	rddreg [dreg:$0x0];
	s2 =	stileid.u32  }
0xf0: {  	s1 =	rddreg [dreg:$0x1];
	p0 =	sne.s32 s2, $0x0  }
0xf1: {  	s3 =	rddreg [dreg:$0x2];
	[bflag:$0x3] =	sbarrier.arrive $0xFFFF;
	s2 =	simm.s32 @!p0 $0x1C02  }
0xf2: {  	[timem:s3], [sflag:s2] =	dma.local @!p0 [hbm:s0], s1  }
0xf3: {  	s0 =	simm.s32 @!p0 $0x2  }
0xf4: {  	_ =	swait.ge @!p0 [sflag:s0], s1  }
0xf5: {  	s1 =	ssub.s32 @!p0 $0x0, s1;
	[sflag:s0] =	ssyncset.done @!p0 $0x0  }
0xf6: {  	[sflag:s0] =	ssyncadd.s32 @!p0 s1  }
0xf7: {  	[bflag:$0x3] =	sbarrier.arrive $0xFFFF  }
0xf8: {  	_ =	shalt  }

// kernel: kernel.8.cloned.1.call-start
scs
__scs_entry_jumppad:
0x0: {  	(pc) =	sbr.rel $0x88, $3  }
0x1: {  	(tag) =	ssettag $0x0;
	lr =	simm.s32 $0x1  }
0x2: {  	[smem:$0x3F94] =	sst lr;
	_ =	strace $0xD0000000  }
0x3: {  	_ = 	snop  }
0x4: {  	_ = 	snop  }
0x5: {  	_ = 	snop  }
0x6: {  	_ = 	snop  }
0x7: {  	_ = 	snop  }
__scs_overlays_trampoline_lowered:
0x8: {  	[smem:$0x3FA3] =	sst s0  }
0x9: {  	[smem:$0x3FA4] =	sst s1  }
0xa: {  	[smem:$0x3FA5] =	sst s2  }
0xb: {  	[smem:$0x3FA6] =	sst s3  }
0xc: {  	[smem:$0x3FA7] =	sst s4  }
0xd: {  	[smem:$0x3FA8] =	sst s5  }
0xe: {  	[smem:$0x3FA9] =	sst s6  }
0xf: {  	[smem:$0x3FAA] =	sst s7  }
0x10: {  	[smem:$0x3FAB] =	sst s8  }
0x11: {  	[smem:$0x3FAC] =	sst s9;
	s0 =	simm.s32 @!p0 $0x0  }
0x12: {  	s1 =	sld [smem:$0x3F92];
	s0 =	simm.s32 @p0 $0x1  }
0x13: {  	[smem:$0x3FAD] =	sst s0;
	s0 =	simm.s32 @!p1 $0x0  }
0x14: {  	s2 =	sld [smem:$0x3F91];
	s0 =	simm.s32 @p1 $0x1  }
0x15: {  	[smem:$0x3FAE] =	sst s0;
	s0 =	simm.s32 @!p2 $0x0  }
0x16: {  	s3 =	sld [smem:$0x3FDB];
	s0 =	simm.s32 @p2 $0x1  }
0x17: {  	s4 =	simm.s32 $0x1BF5;
	[smem:$0x3FB0] =	sst s0  }
0x18: {  	s0 =	sld [smem:$0x3F93];
	_ =	swait.ge [sflag:s4], $0x0  }
0x19: {  	s7 =	sld [smem:$0x3F94]  }
0x1a: {  	s8 =	sadd.s32 $0xFFFFE003, lr  }
0x1b: {  	s9 =	sadd.s32 $0xFFFFFEF7, lr;
	s5 =	simm.s32 $0xFFFFFFFF;
	p2 =	slt.u32 s8, $0xFFFFF086  }
0x1c: {  	p1 =	slt.u32 s9, $0xF7A;
	s5 =	simm.s32 @!p2 $0x0  }
0x1d: {  	s5 =	simm.s32 @p1 $0x1;
	p0 =	seq.s32 s7, s2  }
0x1e: {  	s7 =	smul.u32 @!p0 $0xF7A, s2;
	p2 =	seq.s32 @!p0 s5, $0x0  }
0x1f: {  	s9 =	smul.u32 $0xF7A, s1;
	s8 =	simm.s32 @!p0 $0x1BF5;
	p2 =	por !p2, p0  }
0x20: {  	[sflag:s8] =	ssyncset.s32 @!p0 $0xFFFFF086;
	s6 =	sadd.s32 @!p0 s3, s7;
	s7 =	simm.s32 @!p0 $0x108  }
0x21: {  	s3 =	sadd.s32 s3, s9;
	s6 =	sadd.s32 @!p0 $0x88, s6;
	s7 =	simm.s32 @p2 $0x1082  }
0x22: {  	[simem:s7], [sflag:s8] =	dma.local @!p0 [hbm:s6], $0xF7A  }
0x23: {  	s9 =	sor.u32 $0xD0000000, s2;
	s6 =	simm.s32 $0x108;
	_ =	swait.ge @!p0 [sflag:s8], $0x0  }
0x24: {  	s3 =	sadd.s32 $0x88, s3;
	s6 =	simm.s32 @!p1 $0x1082;
	[sflag:s4] =	ssyncset.s32 $0xFFFFF086  }
0x25: {  	[simem:s6], [sflag:s4] =	dma.local [hbm:s3], $0xF7A  }
0x26: {  	[smem:$0x3F94] =	sst s1;
	(tag) =	ssettag s2;
	_ =	strace s9  }
0x27: {  	s1 =	sld [smem:$0x3FA4]  }
0x28: {  	s2 =	sld [smem:$0x3FA5]  }
0x29: {  	s4 =	sld [smem:$0x3FA7]  }
0x2a: {  	p0 =	seq.s32 s5, $0x0;
	s5 =	sld [smem:$0x3FA8]  }
0x2b: {  	s6 =	sld [smem:$0x3FA9]  }
0x2c: {  	s7 =	sld [smem:$0x3FAA]  }
0x2d: {  	s3 =	simm.s32 $0x108;
	s8 =	sld [smem:$0x3FAB]  }
0x2e: {  	s3 =	simm.s32 @!p0 $0x1082;
	s9 =	sld [smem:$0x3FAC]  }
0x2f: {  	lr =	sadd.s32 s0, s3;
	s0 =	sld [smem:$0x3FA3]  }
0x30: {  	s3 =	sld [smem:$0x3FA6]  }
0x31: {  	[smem:$0x3FAF] =	sst s10  }
0x32: {  	s10 =	sld [smem:$0x3FAD];
	_ =	sdelay $0x3  }
0x33: {  	p0 =	seq.s32 s10, $0x1;
	s10 =	sld [smem:$0x3FAF];
	_ =	sdelay $0x3  }
0x34: {  	[smem:$0x3FAF] =	sst s10  }
0x35: {  	s10 =	sld [smem:$0x3FAE];
	_ =	sdelay $0x3  }
0x36: {  	p1 =	seq.s32 s10, $0x1;
	s10 =	sld [smem:$0x3FAF];
	_ =	sdelay $0x3  }
0x37: {  	[smem:$0x3FAF] =	sst s10  }
0x38: {  	s10 =	sld [smem:$0x3FB0]  }
0x39: {  	_ = 	snop;
	(pc) =	sbr.ind lr, $3  }
0x3a: {  	_ = 	snop  }
0x3b: {  	_ = 	snop  }
0x3c: {  	p2 =	seq.s32 s10, $0x1;
	s10 =	sld [smem:$0x3FAF]  }
0x3d: {  	_ =	shalt  }
0x3e: {  	_ =	shalt  }
0x3f: {  	_ =	shalt  }
0x40: {  	_ =	shalt  }
0x41: {  	_ =	shalt  }
0x42: {  	_ =	shalt  }
0x43: {  	_ =	shalt  }
0x44: {  	_ =	shalt  }
0x45: {  	_ =	shalt  }
0x46: {  	_ =	shalt  }
0x47: {  	_ =	shalt  }
0x48: {  	_ =	shalt  }
0x49: {  	_ =	shalt  }
0x4a: {  	_ =	shalt  }
0x4b: {  	_ =	shalt  }
0x4c: {  	_ =	shalt  }
0x4d: {  	_ =	shalt  }
0x4e: {  	_ =	shalt  }
0x4f: {  	_ =	shalt  }
0x50: {  	_ =	shalt  }
0x51: {  	_ =	shalt  }
0x52: {  	_ =	shalt  }
0x53: {  	_ =	shalt  }
0x54: {  	_ =	shalt  }
0x55: {  	_ =	shalt  }
0x56: {  	_ =	shalt  }
0x57: {  	_ =	shalt  }
0x58: {  	_ =	shalt  }
0x59: {  	_ =	shalt  }
0x5a: {  	_ =	shalt  }
0x5b: {  	_ =	shalt  }
0x5c: {  	_ =	shalt  }
0x5d: {  	_ =	shalt  }
0x5e: {  	_ =	shalt  }
0x5f: {  	_ =	shalt  }
0x60: {  	_ =	shalt  }
0x61: {  	_ =	shalt  }
0x62: {  	_ =	shalt  }
0x63: {  	_ =	shalt  }
0x64: {  	_ =	shalt  }
0x65: {  	_ =	shalt  }
0x66: {  	_ =	shalt  }
0x67: {  	_ =	shalt  }
0x68: {  	_ =	shalt  }
0x69: {  	_ =	shalt  }
0x6a: {  	_ =	shalt  }
0x6b: {  	_ =	shalt  }
0x6c: {  	_ =	shalt  }
0x6d: {  	_ =	shalt  }
0x6e: {  	_ =	shalt  }
0x6f: {  	_ =	shalt  }
0x70: {  	_ =	shalt  }
0x71: {  	_ =	shalt  }
0x72: {  	_ =	shalt  }
0x73: {  	_ =	shalt  }
0x74: {  	_ =	shalt  }
0x75: {  	_ =	shalt  }
0x76: {  	_ =	shalt  }
0x77: {  	_ =	shalt  }
0x78: {  	_ =	shalt  }
0x79: {  	_ =	shalt  }
0x7a: {  	_ =	shalt  }
0x7b: {  	_ =	shalt  }
0x7c: {  	_ =	shalt  }
0x7d: {  	_ =	shalt  }
0x7e: {  	_ =	shalt  }
0x7f: {  	_ =	shalt  }
0x80: {  	_ =	shalt  }
0x81: {  	_ =	shalt  }
0x82: {  	_ =	shalt  }
0x83: {  	_ =	shalt  }
0x84: {  	_ =	shalt  }
0x85: {  	_ =	shalt  }
0x86: {  	_ =	shalt  }
0x87: {  	_ =	shalt  }
.Lfunc_end0:
.L_simem_size_0:
called_computation_lowered:
.L_overlay_start_0:
0x88: {  	s2 =	sld [smem:$0x3FD9]  }
0x89: {  	s3 =	sld [smem:$0x3FFE];
	_ =	sdelay $0x1  }
0x8a: {  	s1 =	srdreg.scid  }
0x8b: {  	s0 =	sand.u32 $0x1, s1  }
0x8c: {  	s17 =	sshll.u32 s0, $0xA;
	s2 =	sadd.s32 s3, s2  }
0x8d: {  	s2 =	sadd.s32 s2, s17  }
0x8e: {  	[smem:$0x3FBB] =	sst s2  }
0x8f: {  	_ = 	snop  }
0x90: {  	s2 =	sld [smem:$0x3FD0];
	(tm) =	ssettm $0x1  }
0x91: {  	s18 =	sld [smem:$0x3FFB];
	_ =	sdelay $0x3  }
0x92: {  	_ =	strace s18  }
0x93: {  	s3 =	sld [smem:$0x3FFC];
	_ =	sdelay $0x3  }
0x94: {  	_ =	strace s3  }
0x95: {  	s3 =	sld [smem:$0x3FFD];
	_ =	sdelay $0x3  }
0x96: {  	_ =	strace s3  }
0x97: {  	_ =	strace $0x8FFFFFFF  }
0x98: {  	s19 =	sld [smem:$0x3FDB];
	_ =	sdelay $0x1  }
0x99: {  	s4 =	simm.s32 $_scs_section_size  }
0x9a: {  	s5 =	simm.s32 $_size__tile_overlayer_lowered;
	s6 =	simm.s32 $_tile_overlayer_lowered  }
0x9b: {  	s22 =	simm.s32 $0x1BFF;
	s21 =	sshll.u32 s6, $0x1;
	s3 =	sadd.s32 s4, s19  }
0x9c: {  	s7 =	simm.s32 $0x0;
	s20 =	sshll.u32 s5, $0x1;
	s5 =	sadd.s32 s21, s3  }
0x9d: {  	[timem:s7], [sflag:s22] =	dma.local [hbm:s5], s20  }
0x9e: {  	_ =	swait.ge [sflag:s22], s20  }
0x9f: {  	s4 =	ssub.s32 $0x0, s20;
	[sflag:s22] =	ssyncset.done $0x0  }
0xa0: {  	[sflag:s22] =	ssyncadd.s32 s4;
	_ =	sdelay $0x1  }
0xa1: {  	s23 =	simm.s32 $0x1B8B  }
0xa2: {  	_ =	swait.ge [sflag:s23], $0x1  }
0xa3: {  	[sflag:s23] =	ssyncset.done $0x0  }
0xa4: {  	s25 =	simm.s32 $0x1B8E;
	s24 =	sld [smem:$0x3FFE];
	[sflag:s23] =	ssyncadd.s32 $0xFFFFFFFF  }
0xa5: {  	s26 =	simm.s32 $execute0_lowered;
	[smem:$0x3FD2] =	sst s25  }
0xa6: {  	s5 =	sshll.u32 s26, $0x1;
	_ =	strace $0x80000046;
	[dreg:$0x1] =	wrdreg $0xFFFFFFFF  }
0xa7: {  	s28 =	simm.s32 $_size_execute0_lowered;
	s3 =	sadd.s32 s3, s5;
	[dreg:$0x0] =	wrdreg $0x0  }
0xa8: {  	s5 =	sshll.u32 s28, $0x1;
	[dreg:$0x2] =	wrdreg s3  }
0xa9: {  	[dreg:$0x3] =	wrdreg s5  }
0xaa: {  	[dreg:$0x4] =	wrdreg $0xC0  }
0xab: {  	_ =	task [dreg:s7], $0x5FFFF  }
0xac: {  	[dreg:$0x1] =	wrdreg $0xFFFFFFFF  }
0xad: {  	[dreg:$0x0] =	wrdreg $0x60  }
0xae: {  	[dreg:$0x2] =	wrdreg s24  }
0xaf: {  	[dreg:$0x3] =	wrdreg s2  }
0xb0: {  	[dreg:$0x4] =	wrdreg $0x9  }
0xb1: {  	_ =	task.clear_ibuf [dreg:s7], $0x5FFFF;
	_ =	strace $0x90000046  }
0xb2: {  	s29 =	simm.s32 $0x9;
	_ =	strace $0x80000048  }
0xb3: {  	_ =	swait.ge [sflag:s29], $0x1  }
0xb4: {  	[sflag:s29] =	ssyncadd.s32 $0xFFFFFFFF  }
0xb5: {  	_ =	strace $0x90000048  }
0xb6: {  	_ =	sfence  }
0xb7: {  	s30 =	sld [smem:$0x0];
	_ =	sdelay $0x2  }
0xb8: {  	s31 =	sshll.u32 s1, $0xD;
	s1 =	sshrl.u32 s1, $0x2  }
0xb9: {  	s3 =	sand.u32 $0x4000, s31;
	s1 =	sadd.s32 s1, s30  }
0xba: {  	s0 =	sor.u32 s3, s0;
	s1 =	sshll.u32 s1, $0x11  }
0xbb: {  	s0 =	sor.u32 s1, s0  }
0xbc: {  	s0 =	sadd.s32 $0x8F2B, s0  }
0xbd: {  	[sflag:s0] =	ssyncadd.remote.s32 $0x1  }
0xbe: {  	_ =	sfence.sel $0xFFFF  }
0xbf: {  	[dreg:$0x0] =	wrdreg $0xFFFFFFFF;
	(pc) =	sbr.abs _section_cstart, $3  }
0xc0: {  	[dreg:$0x1] =	wrdreg $0xFFFFFFFF  }
0xc1: {  	_ =	task.clear_ibuf [dreg:s7], $0x2FFFF;
	_ =	strace $0x9FFFFFFF  }
0xc2: {  	(tm) =	ssettm $0x7FFFFFFF  }
0xc3: {  	_ =	shalt  }
tec
execute0_lowered:
.L_overlay_start_1:
0x0: {  	(tag) =	ssettag $0x1  }
0x1: {  	s0 =	rddreg [dreg:$0x0]  }
0x2: {  	s1 =	rddreg [dreg:$0x1];
	s2 =	srdreg.scid;
	s3 =	simm.s32 $0x0  }
0x3: {  	s16 =	stileid.u32;
	s17 =	simm.s32 $0x6000;
	s18 =	simm.s32 $0xE000  }
0x4: {  	s19 =	simm.s32 $0x1;
	s20 =	simm.s32 $0xF000;
	s21 =	simm.s32 $0x17000  }
0x5: {  	s22 =	simm.s32 $0x2;
	s23 =	simm.s32 $0x3;
	s9 =	smul.u32 $0x28, s16  }
0x6: {  	s24 =	simm.s32 $0x4;
	s2 =	sand.u32 $0x1, s2;
	s15 =	smul.u32 $0x5000, s16  }
0x7: {  	[smem:$0x7FF] =	sst s3;
	s5 =	sadd.s32 $0x9D800, s0;
	s11 =	smul.u32 $0x280, s2  }
0x8: {  	s12 =	sadd.s32 $0x18C000, s0;
	s13 =	sadd.s32 $0xEC000, s0;
	s14 =	smul.u32 $0x50000, s2  }
0x9: {  	s4 =	sshll.u32 s2, $0x4;
	s8 =	ssub.s32 $0x2, s2;
	s2 =	smul.u32 $0x280000, s2  }
0xa: {  	_ =	strace $0x80000047;
	s6 =	sor.u32 s16, s4;
	s16 =	smul.u32 $0x28000, s16  }
0xb: {  	s4 =	sadd.s32 $0x76600, s0;
	s25 =	sshrl.u32 s8, $0x1;
	s7 =	smul.u32 $0x500, s6  }
0xc: {  	s6 =	sadd.s32 $0x23200, s0;
	s26 =	ssub.s32 s8, s25;
	s11 =	sadd.s32 s9, s11  }
0xd: {  	s2 =	sadd.s32 s2, s12;
	s25 =	simm.s32 $0x0;
	s29 =	sshll.u32 s11, $0x9  }
0xe: {  	s9 =	smax.u32 s26, $0x1;
	s31 =	sshll.u32 s11, $0xC;
	s10 =	sadd.s32 s7, s0  }
0xf: {  	s30 =	sadd.s32 s29, s13;
	s13 =	sadd.s32 s14, s13;
	s14 =	simm.s32 $0x5  }
0x10: {  	s28 =	sadd.s32 $0x19000, s10;
	s8 =	sadd.s32 $0xEE00, s10;
	s0 =	sadd.s32 $0x200, s30  }
0x11: {  	s10 =	sadd.s32 s31, s12;
	s12 =	sadd.s32 s15, s13;
	s13 =	sadd.s32 s16, s2  }
0x12: {  	s16 =	simm.s32 $0x100;
	[dreg:$0x3] =	wrdreg s28;
	s11 =	sadd.s32 $0x1000, s10  }
.LBB2_1:
0x13: {  	s2 =	rddreg [dreg:$0x3]  }
0x14: {  	[tilespmem:s3], [sflag:$0x5] =	stream.linear.gather [hbm4b:s2+s3], $0x3000, $0x38;
	[tilespmem:$0x18000] =	vst v63  }
0x15: {  	_ =	swait.ge [sflag:s14], $0x3000  }
0x16: {  	[sflag:s14] =	ssyncset.done $0x0  }
0x17: {  	s7 =	simm.s32 $0x3000;
	[sflag:s14] =	ssyncadd.s32 $0xFFFFD000  }
0x18: {  	[tilespmem:s7], [sflag:$0x5] =	stream.linear.gather [hbm4b:s8+s3], $0x3000, $0x38;
	[tilespmem:$0x18000] =	vst v63  }
0x19: {  	_ =	swait.ge [sflag:s14], $0x3000  }
0x1a: {  	[sflag:s14] =	ssyncset.done $0x0  }
0x1b: {  	[sflag:s14] =	ssyncadd.s32 $0xFFFFD000  }
0x1c: {  	[tilespmem:s17], [sflag:$0x1] =	stream.indirect.gather [hbm4b:s4+s16], $0x80, s3, s16, $0xb8;
	[tilespmem:$0x18000] =	vst v63  }
0x1d: {  	_ = 	snop  }
0x1e: {  	[tilespmem:s18], [sflag:$0x1] =	stream.indirect.gather [hbm4b:s1+s16], $0x10, s3, s16, $0xb8;
	[tilespmem:$0x18000] =	vst v63  }
0x1f: {  	_ =	swait.ge [sflag:s19], $0x8000  }
0x20: {  	[sflag:s19] =	ssyncset.done $0x0  }
0x21: {  	[sflag:s19] =	ssyncadd.s32 $0xFFFF8000  }
0x22: {  	_ =	swait.ge [sflag:s19], $0x1000  }
0x23: {  	[sflag:s19] =	ssyncset.done $0x0  }
0x24: {  	s10 =	simm.s32 $0x3000;
	p0 =	por $0x1, $0x1;
	[sflag:s19] =	ssyncadd.s32 $0xFFFFF000  }
0x25: {  	[tilespmem:s17], [sflag:$0x1] =	stream.indirect.gather.add.f32 [hbm:s5], $0x80, s10, s16, $0xb8;
	[tilespmem:$0x18000] =	vst v63  }
0x26: {  	s2 =	simm.s32 @!p0 $0x4  }
0x27: {  	[tilespmem:s18], [sflag:$0x1] =	stream.indirect.gather.add.f32 [hbm:s6], $0x10, s10, s16, $0xb8;
	[tilespmem:$0x18000] =	vst v63  }
0x28: {  	_ =	swait.ge @!p0 [sflag:s2], $0x8000  }
0x29: {  	[sflag:s2] =	ssyncset.done @!p0 $0x0  }
0x2a: {  	[sflag:s2] =	ssyncadd.s32 @!p0 $0xFFFF8000  }
0x2b: {  	_ =	swait.ge @!p0 [sflag:s2], $0x1000  }
0x2c: {  	[sflag:s2] =	ssyncset.done @!p0 $0x0  }
0x2d: {  	s10 =	simm.s32 $0x100;
	[sflag:s2] =	ssyncadd.s32 @!p0 $0xFFFFF000  }
0x2e: {  	[tilespmem:s20], [sflag:$0x2] =	stream.indirect.gather [hbm4b:s4+s16], $0x80, s10, s16, $0xb8;
	[tilespmem:$0x18000] =	vst v63  }
0x2f: {  	_ = 	snop  }
0x30: {  	[tilespmem:s21], [sflag:$0x2] =	stream.indirect.gather [hbm4b:s1+s16], $0x10, s10, s16, $0xb8;
	[tilespmem:$0x18000] =	vst v63  }
0x31: {  	_ =	swait.ge [sflag:s19], $0x8000  }
0x32: {  	[sflag:s19] =	ssyncset.done $0x0  }
0x33: {  	[sflag:s19] =	ssyncadd.s32 $0xFFFF8000  }
0x34: {  	_ =	swait.ge [sflag:s19], $0x1000  }
0x35: {  	[sflag:s19] =	ssyncset.done $0x0  }
0x36: {  	[sflag:s19] =	ssyncadd.s32 $0xFFFFF000  }
0x37: {  	[hbm4b:s13+s3] =	stream.linear.scatter [tilespmem:s17], [sflag:$0x3], $0x8000, $0x38;
	[tilespmem:$0x18000] =	vst v63  }
0x38: {  	_ = 	snop  }
0x39: {  	[hbm4b:s12+s3] =	stream.linear.scatter [tilespmem:s18], [sflag:$0x3], $0x1000, $0x38;
	[tilespmem:$0x18000] =	vst v63  }
0x3a: {  	_ =	swait.ge [sflag:s22], $0x8000  }
0x3b: {  	[sflag:s22] =	ssyncset.done $0x0  }
0x3c: {  	[sflag:s22] =	ssyncadd.s32 $0xFFFF8000  }
0x3d: {  	_ =	swait.ge [sflag:s22], $0x1000  }
0x3e: {  	[sflag:s22] =	ssyncset.done $0x0  }
0x3f: {  	s15 =	simm.s32 $0x3100;
	[sflag:s22] =	ssyncadd.s32 $0xFFFFF000  }
0x40: {  	[tilespmem:s20], [sflag:$0x2] =	stream.indirect.gather.add.f32 [hbm:s5], $0x80, s15, s16, $0xb8;
	[tilespmem:$0x18000] =	vst v63  }
0x41: {  	_ = 	snop  }
0x42: {  	[tilespmem:s21], [sflag:$0x2] =	stream.indirect.gather.add.f32 [hbm:s6], $0x10, s15, s16, $0xb8;
	[tilespmem:$0x18000] =	vst v63  }
0x43: {  	_ =	swait.ge [sflag:s23], $0x8000  }
0x44: {  	[sflag:s23] =	ssyncset.done $0x0  }
0x45: {  	[sflag:s23] =	ssyncadd.s32 $0xFFFF8000  }
0x46: {  	_ =	swait.ge [sflag:s23], $0x1000  }
0x47: {  	[sflag:s23] =	ssyncset.done $0x0  }
0x48: {  	s26 =	simm.s32 $0x200;
	[sflag:s23] =	ssyncadd.s32 $0xFFFFF000  }
0x49: {  	[tilespmem:s17], [sflag:$0x1] =	stream.indirect.gather [hbm4b:s4+s16], $0x80, s26, s16, $0xb8;
	[tilespmem:$0x18000] =	vst v63  }
0x4a: {  	_ = 	snop  }
0x4b: {  	[tilespmem:s18], [sflag:$0x1] =	stream.indirect.gather [hbm4b:s1+s16], $0x10, s26, s16, $0xb8;
	[tilespmem:$0x18000] =	vst v63  }
0x4c: {  	_ =	swait.ge [sflag:s22], $0x8000  }
0x4d: {  	[sflag:s22] =	ssyncset.done $0x0  }
0x4e: {  	[sflag:s22] =	ssyncadd.s32 $0xFFFF8000  }
0x4f: {  	s28 =	sadd.s32 $0x400, s12;
	s29 =	sadd.s32 $0x2000, s13;
	_ =	swait.ge [sflag:s22], $0x1000  }
0x50: {  	s30 =	smov.u32 s0;
	s31 =	smov.u32 s11;
	[sflag:s22] =	ssyncset.done $0x0  }
0x51: {  	s10 =	smov.u32 s0;
	s26 =	simm.s32 $0x800;
	[sflag:s22] =	ssyncadd.s32 $0xFFFFF000  }
0x52: {  	[hbm4b:s11+s3] =	stream.linear.scatter [tilespmem:s20], [sflag:$0x4], $0x8000, $0x38;
	[tilespmem:$0x18000] =	vst v63  }
.LBB2_2:
0x53: {  	s30 =	sadd.s32 $0x400, s30  }
0x54: {  	s31 =	sadd.s32 $0x2000, s31;
	s15 =	smov.u32 s26;
	s26 =	sadd.s32 $0x800, s26  }
0x55: {  	[hbm4b:s10+s3] =	stream.linear.scatter [tilespmem:s21], [sflag:$0x4], $0x1000, $0x38;
	[tilespmem:$0x18000] =	vst v63  }
0x56: {  	p0 =	sne.s32 s26, $0xA000;
	s10 =	smov.u32 s30;
	_ =	swait.ge [sflag:s19], $0x8000  }
0x57: {  	[sflag:s19] =	ssyncset.done $0x0  }
0x58: {  	[sflag:s19] =	ssyncadd.s32 $0xFFFF8000  }
0x59: {  	_ =	swait.ge [sflag:s19], $0x1000  }
0x5a: {  	s2 =	sshra.s32 s15, $0x2;
	[sflag:s19] =	ssyncset.done $0x0  }
0x5b: {  	s7 =	sadd.s32 $0x3000, s2;
	[sflag:s19] =	ssyncadd.s32 $0xFFFFF000  }
0x5c: {  	[tilespmem:s17], [sflag:$0x1] =	stream.indirect.gather.add.f32 [hbm:s5], $0x80, s7, s16, $0xb8;
	[tilespmem:$0x18000] =	vst v63  }
0x5d: {  	p1 =	seq.s32 s15, $0x0  }
0x5e: {  	[tilespmem:s18], [sflag:$0x1] =	stream.indirect.gather.add.f32 [hbm:s6], $0x10, s7, s16, $0xb8;
	[tilespmem:$0x18000] =	vst v63  }
0x5f: {  	s7 =	simm.s32 @!p1 $0x4  }
0x60: {  	_ =	swait.ge @!p1 [sflag:s7], $0x8000  }
0x61: {  	[sflag:s7] =	ssyncset.done @!p1 $0x0  }
0x62: {  	[sflag:s7] =	ssyncadd.s32 @!p1 $0xFFFF8000  }
0x63: {  	_ =	swait.ge @!p1 [sflag:s7], $0x1000  }
0x64: {  	s15 =	sadd.s32 $0x100, s2;
	[sflag:s7] =	ssyncset.done @!p1 $0x0  }
0x65: {  	[sflag:s7] =	ssyncadd.s32 @!p1 $0xFFFFF000  }
0x66: {  	[tilespmem:s20], [sflag:$0x2] =	stream.indirect.gather [hbm4b:s4+s16], $0x80, s15, s16, $0xb8;
	[tilespmem:$0x18000] =	vst v63  }
0x67: {  	_ = 	snop  }
0x68: {  	[tilespmem:s21], [sflag:$0x2] =	stream.indirect.gather [hbm4b:s1+s16], $0x10, s15, s16, $0xb8;
	[tilespmem:$0x18000] =	vst v63  }
0x69: {  	_ =	swait.ge [sflag:s19], $0x8000  }
0x6a: {  	[sflag:s19] =	ssyncset.done $0x0  }
0x6b: {  	[sflag:s19] =	ssyncadd.s32 $0xFFFF8000  }
0x6c: {  	_ =	swait.ge [sflag:s19], $0x1000  }
0x6d: {  	[sflag:s19] =	ssyncset.done $0x0  }
0x6e: {  	[sflag:s19] =	ssyncadd.s32 $0xFFFFF000  }
0x6f: {  	[hbm4b:s29+s3] =	stream.linear.scatter [tilespmem:s17], [sflag:$0x3], $0x8000, $0x38;
	[tilespmem:$0x18000] =	vst v63  }
0x70: {  	_ = 	snop  }
0x71: {  	[hbm4b:s28+s3] =	stream.linear.scatter [tilespmem:s18], [sflag:$0x3], $0x1000, $0x38;
	[tilespmem:$0x18000] =	vst v63  }
0x72: {  	_ =	swait.ge [sflag:s22], $0x8000  }
0x73: {  	[sflag:s22] =	ssyncset.done $0x0  }
0x74: {  	[sflag:s22] =	ssyncadd.s32 $0xFFFF8000  }
0x75: {  	_ =	swait.ge [sflag:s22], $0x1000  }
0x76: {  	s7 =	sadd.s32 $0x3100, s2;
	[sflag:s22] =	ssyncset.done $0x0  }
0x77: {  	[sflag:s22] =	ssyncadd.s32 $0xFFFFF000  }
0x78: {  	[tilespmem:s20], [sflag:$0x2] =	stream.indirect.gather.add.f32 [hbm:s5], $0x80, s7, s16, $0xb8;
	[tilespmem:$0x18000] =	vst v63  }
0x79: {  	_ = 	snop  }
0x7a: {  	[tilespmem:s21], [sflag:$0x2] =	stream.indirect.gather.add.f32 [hbm:s6], $0x10, s7, s16, $0xb8;
	[tilespmem:$0x18000] =	vst v63  }
0x7b: {  	_ =	swait.ge [sflag:s23], $0x8000  }
0x7c: {  	[sflag:s23] =	ssyncset.done $0x0  }
0x7d: {  	[sflag:s23] =	ssyncadd.s32 $0xFFFF8000  }
0x7e: {  	_ =	swait.ge [sflag:s23], $0x1000  }
0x7f: {  	s2 =	sadd.s32 $0x200, s2;
	[sflag:s23] =	ssyncset.done $0x0  }
0x80: {  	[sflag:s23] =	ssyncadd.s32 $0xFFFFF000  }
0x81: {  	[tilespmem:s17], [sflag:$0x1] =	stream.indirect.gather [hbm4b:s4+s16], $0x80, s2, s16, $0xb8;
	[tilespmem:$0x18000] =	vst v63  }
0x82: {  	_ = 	snop  }
0x83: {  	[tilespmem:s18], [sflag:$0x1] =	stream.indirect.gather [hbm4b:s1+s16], $0x10, s2, s16, $0xb8;
	[tilespmem:$0x18000] =	vst v63  }
0x84: {  	_ =	swait.ge [sflag:s22], $0x8000  }
0x85: {  	[sflag:s22] =	ssyncset.done $0x0  }
.Ltmp0:
0x86: {  	[sflag:s22] =	ssyncadd.s32 $0xFFFF8000;
	(pc) =	sbr.rel @p0 .LBB2_2-.Ltmp0, $4  }
0x87: {  	_ =	swait.ge [sflag:s22], $0x1000  }
0x88: {  	[sflag:s22] =	ssyncset.done $0x0  }
0x89: {  	s29 =	sadd.s32 $0x2000, s29;
	s28 =	sadd.s32 $0x400, s28;
	[sflag:s22] =	ssyncadd.s32 $0xFFFFF000  }
0x8a: {  	[hbm4b:s31+s3] =	stream.linear.scatter [tilespmem:s20], [sflag:$0x4], $0x8000, $0x38;
	[tilespmem:$0x18000] =	vst v63  }
0x8b: {  	[hbm4b:s10+s3] =	stream.linear.scatter [tilespmem:s21], [sflag:$0x4], $0x1000, $0x38;
	[tilespmem:$0x18000] =	vst v63  }
0x8c: {  	_ =	swait.ge [sflag:s19], $0x8000  }
0x8d: {  	[sflag:s19] =	ssyncset.done $0x0  }
0x8e: {  	[sflag:s19] =	ssyncadd.s32 $0xFFFF8000  }
0x8f: {  	_ =	swait.ge [sflag:s19], $0x1000  }
0x90: {  	[sflag:s19] =	ssyncset.done $0x0  }
0x91: {  	s25 =	sadd.s32 $0x1, s25;
	[sflag:s19] =	ssyncadd.s32 $0xFFFFF000  }
0x92: {  	p0 =	sne.s32 s25, s9;
	_ =	swait.ge [sflag:s24], $0x8000  }
.Ltmp1:
0x93: {  	[sflag:s24] =	ssyncset.done $0x0;
	(pc) =	sbr.rel @p0 .LBB2_1-.Ltmp1, $4  }
0x94: {  	[sflag:s24] =	ssyncadd.s32 $0xFFFF8000  }
0x95: {  	_ =	swait.ge [sflag:s24], $0x1000  }
0x96: {  	[sflag:s24] =	ssyncset.done $0x0  }
0x97: {  	[sflag:s24] =	ssyncadd.s32 $0xFFFFF000  }
0x98: {  	_ =	sfence.sel $0x180000  }
0x99: {  	[bflag:$0x0] =	sbarrier.arrive $0xFFFF  }
0x9a: {  	_ =	strace $0x90000047  }
0x9b: {  	s0 =	stileid.u32;
	[bflag:$0x2] =	sbarrier.arrive $0xFFFF  }
0x9c: {  	p0 =	sne.s32 s0, $0x0;
	s0 =	rddreg [dreg:$0x2]  }
0x9d: {  	s0 =	sadd.s32 @!p0 $0x100000, s0  }
0x9e: {  	[sflag:s0] =	ssyncadd.tile.s32 @!p0 $0x1;
	_ =	shalt  }
.Lfunc_end2:
_tile_overlayer_lowered:
.L_overlay_start_2:
0x9f: {  	(tag) =	ssettag $0x2  }
0xa0: {  	s0 =	rddreg [dreg:$0x0];
	s2 =	stileid.u32  }
0xa1: {  	s1 =	rddreg [dreg:$0x1];
	p0 =	sne.s32 s2, $0x0  }
0xa2: {  	s3 =	rddreg [dreg:$0x2];
	[bflag:$0x3] =	sbarrier.arrive $0xFFFF;
	s2 =	simm.s32 @!p0 $0x1C05  }
0xa3: {  	[timem:s3], [sflag:s2] =	dma.local @!p0 [hbm:s0], s1  }
0xa4: {  	s0 =	simm.s32 @!p0 $0x5  }
0xa5: {  	_ =	swait.ge @!p0 [sflag:s0], s1  }
0xa6: {  	s1 =	ssub.s32 @!p0 $0x0, s1;
	[sflag:s0] =	ssyncset.done @!p0 $0x0  }
0xa7: {  	[sflag:s0] =	ssyncadd.s32 @!p0 s1  }
0xa8: {  	[bflag:$0x3] =	sbarrier.arrive $0xFFFF  }
0xa9: {  	_ =	shalt  }

</sc_bundles>
